<compile_context>
chip_gen: v7x
topology: tpu7x:2x2x1
jax: 0.10.2.dev20260603
libtpu: 0.0.44.dev20260713+nightly
codegen_flags: <defaults>
</compile_context>

<pallas_src>
import functools

import jax
import jax.numpy as jnp
from jax import lax
from jax.experimental import pallas as pl
from jax.experimental.pallas import tpu as pltpu
from jax.experimental.pallas import tpu_sc as plsc

N = 10000
E = 320000
F = 128
NC = 2
NS = 16
NW = NC * NS
PAD_N = 10240
STRIPE = PAD_N // NS
E_PER_W = E // NW
CHUNK = 128
N_FULL = E_PER_W // CHUNK
TAIL = E_PER_W - N_FULL * CHUNK

_MESH = plsc.VectorSubcoreMesh(
    core_axis_name="c", subcore_axis_name="s", num_cores=NC, num_subcores=NS
)


def _fill1d(ref, n, val):
    v = jnp.full((16,), val, dtype=ref.dtype)

    def body(i, _):
        ref[pl.ds(i * 16, 16)] = v
        return 0

    lax.fori_loop(0, n // 16, body, 0)


def _fill2d(ref, rows, val):
    v = jnp.full((16,), val, dtype=ref.dtype)

    def body(i, _):
        ref[i // 8, pl.ds((i % 8) * 16, 16)] = v
        return 0

    lax.fori_loop(0, rows * 8, body, 0)


def _hist_body(dst_hbm, out_hbm, idxb, onesb, i16, ones16, zb, hist):
    c = lax.axis_index("c")
    s = lax.axis_index("s")
    wid = s * NC + c
    _fill1d(onesb, CHUNK, 1.0)
    _fill1d(ones16, TAIL, 1.0)
    _fill1d(zb, STRIPE, 0.0)
    pltpu.sync_copy(zb, hist.at[pl.ds(s * STRIPE, STRIPE)])
    plsc.subcore_barrier()
    base = wid * E_PER_W

    def chunk(ci, _):
        off = base + ci * CHUNK
        pltpu.sync_copy(dst_hbm.at[pl.ds(off, CHUNK)], idxb)
        pltpu.sync_copy(onesb, hist.at[idxb], add=True)
        return 0

    lax.fori_loop(0, N_FULL, chunk, 0)
    pltpu.sync_copy(dst_hbm.at[pl.ds(base + N_FULL * CHUNK, TAIL)], i16)
    pltpu.sync_copy(ones16, hist.at[i16], add=True)
    plsc.subcore_barrier()
    pltpu.sync_copy(
        hist.at[pl.ds(s * STRIPE, STRIPE)], out_hbm.at[c, pl.ds(s * STRIPE, STRIPE)]
    )


_sc_hist = pl.kernel(
    _hist_body,
    out_type=jax.ShapeDtypeStruct((NC, PAD_N), jnp.float32),
    mesh=_MESH,
    scratch_types=[
        pltpu.VMEM((CHUNK,), jnp.int32),
        pltpu.VMEM((CHUNK,), jnp.float32),
        pltpu.VMEM((TAIL,), jnp.int32),
        pltpu.VMEM((TAIL,), jnp.float32),
        pltpu.VMEM((STRIPE,), jnp.float32),
        pltpu.VMEM_SHARED((PAD_N,), jnp.float32),
    ],
)


def _edge_body(g_hbm, src_hbm, dst_hbm, out_hbm, sidx, didx, rows, s16, d16,
               rows16, zb, acc, sem):
    c = lax.axis_index("c")
    s = lax.axis_index("s")
    wid = s * NC + c
    _fill2d(zb, 64, 0.0)

    def zinit(k, _):
        pltpu.sync_copy(zb, acc.at[pl.ds(s * STRIPE + k * 64, 64)])
        return 0

    lax.fori_loop(0, STRIPE // 64, zinit, 0)
    plsc.subcore_barrier()
    base = wid * E_PER_W

    def chunk(ci, _):
        off = base + ci * CHUNK
        pltpu.sync_copy(src_hbm.at[pl.ds(off, CHUNK)], sidx)
        pltpu.sync_copy(dst_hbm.at[pl.ds(off, CHUNK)], didx)
        pltpu.async_copy(g_hbm.at[sidx], rows, sem).wait()
        pltpu.sync_copy(rows, acc.at[didx], add=True)
        return 0

    lax.fori_loop(0, N_FULL, chunk, 0)
    off = base + N_FULL * CHUNK
    pltpu.sync_copy(src_hbm.at[pl.ds(off, TAIL)], s16)
    pltpu.sync_copy(dst_hbm.at[pl.ds(off, TAIL)], d16)
    pltpu.async_copy(g_hbm.at[s16], rows16, sem).wait()
    pltpu.sync_copy(rows16, acc.at[d16], add=True)
    plsc.subcore_barrier()
    pltpu.sync_copy(
        acc.at[pl.ds(s * STRIPE, STRIPE)], out_hbm.at[c, pl.ds(s * STRIPE, STRIPE)]
    )


_sc_edges = pl.kernel(
    _edge_body,
    out_type=jax.ShapeDtypeStruct((NC, PAD_N, F), jnp.float32),
    mesh=_MESH,
    scratch_types=[
        pltpu.VMEM((CHUNK,), jnp.int32),
        pltpu.VMEM((CHUNK,), jnp.int32),
        pltpu.VMEM((CHUNK, F), jnp.float32),
        pltpu.VMEM((TAIL,), jnp.int32),
        pltpu.VMEM((TAIL,), jnp.int32),
        pltpu.VMEM((TAIL, F), jnp.float32),
        pltpu.VMEM((64, F), jnp.float32),
        pltpu.VMEM_SHARED((PAD_N, F), jnp.float32),
        pltpu.SemaphoreType.DMA,
    ],
)


_TC_BLK = 1280
_TC_GRID = PAD_N // _TC_BLK


def _prep_body(x_ref, w_ref, d0_ref, d1_ref, g_ref, dis_ref):
    deg = d0_ref[...] + d1_ref[...] + 1.0
    dis = lax.rsqrt(deg)
    h = jnp.dot(x_ref[...], w_ref[...], preferred_element_type=jnp.float32)
    g_ref[...] = h * dis
    dis_ref[...] = dis


def _tc_prep(xp, W1, d0, d1):
    return pl.pallas_call(
        _prep_body,
        grid=(_TC_GRID,),
        in_specs=[
            pl.BlockSpec((_TC_BLK, F), lambda i: (i, 0)),
            pl.BlockSpec((F, F), lambda i: (0, 0)),
            pl.BlockSpec((_TC_BLK, 1), lambda i: (i, 0)),
            pl.BlockSpec((_TC_BLK, 1), lambda i: (i, 0)),
        ],
        out_specs=[
            pl.BlockSpec((_TC_BLK, F), lambda i: (i, 0)),
            pl.BlockSpec((_TC_BLK, 1), lambda i: (i, 0)),
        ],
        out_shape=[
            jax.ShapeDtypeStruct((PAD_N, F), jnp.float32),
            jax.ShapeDtypeStruct((PAD_N, 1), jnp.float32),
        ],
    )(xp, W1, d0, d1)


def _final_body(acc_ref, g_ref, dis_ref, b_ref, o_ref):
    t = acc_ref[0] + acc_ref[1] + g_ref[...]
    o_ref[...] = jnp.maximum(t * dis_ref[...] + b_ref[...], 0.0)


def _tc_final(acc, g, dis, b2):
    return pl.pallas_call(
        _final_body,
        grid=(_TC_GRID,),
        in_specs=[
            pl.BlockSpec((NC, _TC_BLK, F), lambda i: (0, i, 0)),
            pl.BlockSpec((_TC_BLK, F), lambda i: (i, 0)),
            pl.BlockSpec((_TC_BLK, 1), lambda i: (i, 0)),
            pl.BlockSpec((1, F), lambda i: (0, 0)),
        ],
        out_specs=pl.BlockSpec((_TC_BLK, F), lambda i: (i, 0)),
        out_shape=jax.ShapeDtypeStruct((PAD_N, F), jnp.float32),
    )(acc, g, dis, b2)


def kernel(x, edge_index, W1, b1):
    src = edge_index[0].astype(jnp.int32)
    dst = edge_index[1].astype(jnp.int32)
    xp = jnp.pad(x, ((0, PAD_N - N), (0, 0)))
    degp = _sc_hist(dst)
    d0 = degp[0].reshape(PAD_N, 1)
    d1 = degp[1].reshape(PAD_N, 1)
    g, dis = _tc_prep(xp, W1, d0, d1)
    acc = _sc_edges(g, src, dst)
    out = _tc_final(acc, g, dis, b1.reshape(1, F))
    return out[:N]

# --- scband reference (transcript-rebuilt; emitter-appended) ---
"""Pipeline reference for scband-main-view-encoder-32693291057234 (READ-ONLY COPY).

The authoritative reference and input builder live on the scoring server;
editing this copy changes nothing except your own understanding.
"""

import jax, jax.numpy as jnp
import numpy as np

N_NODES = 10000
N_EDGES = 320000
NFEAT = 128
NHID = 128


def gcn_conv(x, edge_index, W, b):
    n = x.shape[0]
    src = edge_index[0]
    dst = edge_index[1]
    # add self-loops (PyG GCNConv default add_self_loops=True)
    loop = jnp.arange(n, dtype=edge_index.dtype)
    src = jnp.concatenate([src, loop])
    dst = jnp.concatenate([dst, loop])
    # symmetric normalization: deg computed on dst (col), norm = d^-1/2[src] * d^-1/2[dst]
    ones = jnp.ones(src.shape[0], dtype=x.dtype)
    deg = jnp.zeros((n,), dtype=x.dtype).at[dst].add(ones)
    deg_inv_sqrt = jnp.where(deg > 0, 1.0 / jnp.sqrt(deg), 0.0)
    norm = deg_inv_sqrt[src] * deg_inv_sqrt[dst]
    # linear transform then message passing (gather from src, scatter-add to dst)
    h = x @ W
    msg = h[src] * norm[:, None]
    out = jnp.zeros((n, W.shape[1]), dtype=x.dtype).at[dst].add(msg)
    return out + b


def setup_inputs(seed: int = 0) -> dict:
    key = jax.random.key(seed)
    k1, k2, k3, k4 = jax.random.split(key, 4)
    x = jax.random.normal(k1, (N_NODES, NFEAT), dtype=jnp.float32)
    edge_index = jax.random.randint(k2, (2, N_EDGES), 0, N_NODES, dtype=jnp.int64)
    # gc1 parameters (gc2 is defined in __init__ but unused in forward)
    limit = 1.0 / np.sqrt(NFEAT)
    W1 = jax.random.uniform(k3, (NFEAT, NHID), dtype=jnp.float32, minval=-limit, maxval=limit)
    b1 = jnp.zeros((NHID,), dtype=jnp.float32)
    return {"x": x, "edge_index": edge_index, "W1": W1, "b1": b1}


def reference(x, edge_index, W1, b1):
    # MainViewEncoder.forward: x = gc1(x, edge_index); x = relu(x); return x
    h = gcn_conv(x, edge_index, W1, b1)
    return jax.nn.relu(h)

if __name__ == "__main__":
    import jax
    _d = setup_inputs()
    print(jax.jit(kernel)(*tuple(_d.values())))

</pallas_src>

<mosaic_0001>
#map = affine_map<(d0, d1) -> (0)>
#map1 = affine_map<(d0, d1) -> (0, 0)>
module attributes {stable_mosaic.version = 14 : i64} {
  func.func @_hist_body(%arg0: i32, %arg1: i32, %arg2: memref<320000xi32, #tpu.memory_space<hbm>>, %arg3: memref<2x10240xf32, #tpu.memory_space<hbm>>, %arg4: memref<128xi32, #tpu.memory_space<vmem>>, %arg5: memref<128xf32, #tpu.memory_space<vmem>>, %arg6: memref<16xi32, #tpu.memory_space<vmem>>, %arg7: memref<16xf32, #tpu.memory_space<vmem>>, %arg8: memref<640xf32, #tpu.memory_space<vmem>>, %arg9: memref<10240xf32, #tpu.memory_space<vmem_shared>>) attributes {dimension_semantics = [#tpu.dimension_semantics<core_parallel>, #tpu.dimension_semantics<subcore_parallel>], iteration_bounds = array<i64: 2, 16>, scalar_prefetch = 0 : i64, scratch_operands = 6 : i64, tpu.core_type = #tpu.core_type<sc_vector_subcore>, window_params = [{transform_indices = #map}, {transform_indices = #map1}]} {
    %mul3A = arith.constant 2 : i32
    %mul3A_0 = arith.muli %arg1, %mul3A : i32
    %add3A = arith.addi %mul3A_0, %arg0 : i32
    %broadcast_in_dim3A = arith.constant 1.000000e+00 : f32
    %broadcast_in_dim3A_1 = vector.broadcast %broadcast_in_dim3A : f32 to vector<16xf32>
    %scan3A = arith.constant 0 : i32
    %scan3A_2 = arith.constant 0 : i32
    %scan3A_3 = arith.constant 8 : i32
    %scan3A_4 = arith.addi %scan3A_2, %scan3A_3 : i32
    %scan3A_5 = arith.constant 1 : i32
    %scan3A_6 = scf.for %scan3A_46 = %scan3A_2 to %scan3A_4 step %scan3A_5 iter_args(%scan3A_47 = %scan3A) -> (i32)  : i32 {
      %mul3A_48 = arith.constant 16 : i32
      %mul3A_49 = arith.muli %scan3A_46, %mul3A_48 : i32
      %swap3A_50 = arith.index_cast %mul3A_49 : i32 to index
      %swap3A_51 = tpu.vector_load %arg5[%swap3A_50] {strides = array<i32>} : memref<128xf32, #tpu.memory_space<vmem>>, vector<16xf32>,
      %swap3A_52 = vector.shape_cast %swap3A_51 : vector<16xf32> to vector<16xf32>
      %swap3A_53 = vector.shape_cast %broadcast_in_dim3A_1 : vector<16xf32> to vector<16xf32>
      tpu.vector_store %arg5[%swap3A_50], %swap3A_53 {strides = array<i32>} : memref<128xf32, #tpu.memory_space<vmem>>, vector<16xf32>,
      %scan3A_54 = arith.constant 0 : i32
      scf.yield %scan3A_54 : i32
    }
    %scan3A_7 = arith.constant 8 : i32
    %broadcast_in_dim3A_8 = arith.constant 1.000000e+00 : f32
    %broadcast_in_dim3A_9 = vector.broadcast %broadcast_in_dim3A_8 : f32 to vector<16xf32>
    %scan3A_10 = arith.constant 0 : i32
    %scan3A_11 = arith.constant 0 : i32
    %mul3A_12 = arith.constant 16 : i32
    %mul3A_13 = arith.muli %scan3A_11, %mul3A_12 : i32
    %swap3A = arith.index_cast %mul3A_13 : i32 to index
    %swap3A_14 = tpu.vector_load %arg7[%swap3A] {strides = array<i32>} : memref<16xf32, #tpu.memory_space<vmem>>, vector<16xf32>,
    %swap3A_15 = vector.shape_cast %swap3A_14 : vector<16xf32> to vector<16xf32>
    %swap3A_16 = vector.shape_cast %broadcast_in_dim3A_9 : vector<16xf32> to vector<16xf32>
    tpu.vector_store %arg7[%swap3A], %swap3A_16 {strides = array<i32>} : memref<16xf32, #tpu.memory_space<vmem>>, vector<16xf32>,
    %scan3A_17 = arith.constant 0 : i32
    %scan3A_18 = arith.constant 1 : i32
    %broadcast_in_dim3A_19 = arith.constant 0.000000e+00 : f32
    %broadcast_in_dim3A_20 = vector.broadcast %broadcast_in_dim3A_19 : f32 to vector<16xf32>
    %scan3A_21 = arith.constant 0 : i32
    %scan3A_22 = arith.constant 0 : i32
    %scan3A_23 = arith.constant 40 : i32
    %scan3A_24 = arith.addi %scan3A_22, %scan3A_23 : i32
    %scan3A_25 = arith.constant 1 : i32
    %scan3A_26 = scf.for %scan3A_46 = %scan3A_22 to %scan3A_24 step %scan3A_25 iter_args(%scan3A_47 = %scan3A_21) -> (i32)  : i32 {
      %mul3A_48 = arith.constant 16 : i32
      %mul3A_49 = arith.muli %scan3A_46, %mul3A_48 : i32
      %swap3A_50 = arith.index_cast %mul3A_49 : i32 to index
      %swap3A_51 = tpu.vector_load %arg8[%swap3A_50] {strides = array<i32>} : memref<640xf32, #tpu.memory_space<vmem>>, vector<16xf32>,
      %swap3A_52 = vector.shape_cast %swap3A_51 : vector<16xf32> to vector<16xf32>
      %swap3A_53 = vector.shape_cast %broadcast_in_dim3A_20 : vector<16xf32> to vector<16xf32>
      tpu.vector_store %arg8[%swap3A_50], %swap3A_53 {strides = array<i32>} : memref<640xf32, #tpu.memory_space<vmem>>, vector<16xf32>,
      %scan3A_54 = arith.constant 0 : i32
      scf.yield %scan3A_54 : i32
    }
    %scan3A_27 = arith.constant 40 : i32
    %mul3A_28 = arith.constant 640 : i32
    %mul3A_29 = arith.muli %arg1, %mul3A_28 : i32
    "tpu.region"() ({
      %run_scoped3A = tpu.sem_alloc : memref<!tpu.dma_semaphore, #tpu.memory_space<semaphore_mem>>
      %dma_start3A = tpu.memref_slice %arg9[%mul3A_29] : memref<10240xf32, #tpu.memory_space<vmem_shared>> -> memref<640xf32, #tpu.memory_space<vmem_shared>>
      %dma_start3A_46 = tpu.memref_slice %arg9[%mul3A_29] : memref<10240xf32, #tpu.memory_space<vmem_shared>> -> memref<640xf32, #tpu.memory_space<vmem_shared>>
      tpu.enqueue_dma source(%arg8 : memref<640xf32, #tpu.memory_space<vmem>>) target(%dma_start3A_46 : memref<640xf32, #tpu.memory_space<vmem_shared>>) target_semaphore(%run_scoped3A : memref<!tpu.dma_semaphore, #tpu.memory_space<semaphore_mem>>)
      %dma_wait3A = tpu.memref_slice %arg9[%mul3A_29] : memref<10240xf32, #tpu.memory_space<vmem_shared>> -> memref<640xf32, #tpu.memory_space<vmem_shared>>
      %dma_wait3A_47 = tpu.memref_slice %arg9[%mul3A_29] : memref<10240xf32, #tpu.memory_space<vmem_shared>> -> memref<640xf32, #tpu.memory_space<vmem_shared>>
      tpu.wait_dma2 semaphore(%run_scoped3A : memref<!tpu.dma_semaphore, #tpu.memory_space<semaphore_mem>>) src(%arg8 : memref<640xf32, #tpu.memory_space<vmem>>) dst(%dma_wait3A_47 : memref<640xf32, #tpu.memory_space<vmem_shared>>)
      tpu.yield
    }) : () -> ()
    %barrier3A = arith.constant 0 : index
    tpu.barrier barrier_id(%barrier3A)
    %mul3A_30 = arith.constant 10000 : i32
    %mul3A_31 = arith.muli %add3A, %mul3A_30 : i32
    %scan3A_32 = arith.constant 0 : i32
    %scan3A_33 = arith.constant 0 : i32
    %scan3A_34 = arith.constant 78 : i32
    %scan3A_35 = arith.addi %scan3A_33, %scan3A_34 : i32
    %scan3A_36 = arith.constant 1 : i32
    %scan3A_37 = scf.for %scan3A_46 = %scan3A_33 to %scan3A_35 step %scan3A_36 iter_args(%scan3A_47 = %scan3A_32) -> (i32)  : i32 {
      %mul3A_48 = arith.constant 128 : i32
      %mul3A_49 = arith.muli %scan3A_46, %mul3A_48 : i32
      %add3A_50 = arith.addi %mul3A_31, %mul3A_49 : i32
      "tpu.region"() ({
        %run_scoped3A = tpu.sem_alloc : memref<!tpu.dma_semaphore, #tpu.memory_space<semaphore_mem>>
        %dma_start3A = tpu.memref_slice %arg2[%add3A_50] : memref<320000xi32, #tpu.memory_space<hbm>> -> memref<128xi32, #tpu.memory_space<hbm>>
        %dma_start3A_52 = tpu.memref_slice %arg2[%add3A_50] : memref<320000xi32, #tpu.memory_space<hbm>> -> memref<128xi32, #tpu.memory_space<hbm>>
        tpu.enqueue_dma source(%dma_start3A_52 : memref<128xi32, #tpu.memory_space<hbm>>) target(%arg4 : memref<128xi32, #tpu.memory_space<vmem>>) target_semaphore(%run_scoped3A : memref<!tpu.dma_semaphore, #tpu.memory_space<semaphore_mem>>)
        %dma_wait3A = tpu.memref_slice %arg2[%add3A_50] : memref<320000xi32, #tpu.memory_space<hbm>> -> memref<128xi32, #tpu.memory_space<hbm>>
        %dma_wait3A_53 = tpu.memref_slice %arg2[%add3A_50] : memref<320000xi32, #tpu.memory_space<hbm>> -> memref<128xi32, #tpu.memory_space<hbm>>
        tpu.wait_dma2 semaphore(%run_scoped3A : memref<!tpu.dma_semaphore, #tpu.memory_space<semaphore_mem>>) src(%dma_wait3A_53 : memref<128xi32, #tpu.memory_space<hbm>>) dst(%arg4 : memref<128xi32, #tpu.memory_space<vmem>>)
        tpu.yield
      }) : () -> ()
      "tpu.region"() ({
        %run_scoped3A = tpu.sem_alloc : memref<!tpu.dma_semaphore, #tpu.memory_space<semaphore_mem>>
        %dma_start3A = arith.constant 0 : i32
        %dma_start3A_52 = tpu.memref_slice %arg9[%dma_start3A] : memref<10240xf32, #tpu.memory_space<vmem_shared>> -> memref<10240xf32, #tpu.memory_space<vmem_shared>>
        tpu.enqueue_indirect_dma source(%arg5 : memref<128xf32, #tpu.memory_space<vmem>>) target(%dma_start3A_52 : memref<10240xf32, #tpu.memory_space<vmem_shared>>) offsets(%arg4 : memref<128xi32, #tpu.memory_space<vmem>>) semaphore(%run_scoped3A : memref<!tpu.dma_semaphore, #tpu.memory_space<semaphore_mem>>) {add = true}
        %dma_wait3A = arith.constant 0 : i32
        %dma_wait3A_53 = tpu.memref_slice %arg9[%dma_wait3A] : memref<10240xf32, #tpu.memory_space<vmem_shared>> -> memref<10240xf32, #tpu.memory_space<vmem_shared>>
        tpu.wait_indirect_dma semaphore(%run_scoped3A : memref<!tpu.dma_semaphore, #tpu.memory_space<semaphore_mem>>) src(%arg5 : memref<128xf32, #tpu.memory_space<vmem>>) dst(%dma_wait3A_53 : memref<10240xf32, #tpu.memory_space<vmem_shared>>)
        tpu.yield
      }) : () -> ()
      %scan3A_51 = arith.constant 0 : i32
      scf.yield %scan3A_51 : i32
    }
    %scan3A_38 = arith.constant 78 : i32
    %add3A_39 = arith.constant 9984 : i32
    %add3A_40 = arith.addi %mul3A_31, %add3A_39 : i32
    "tpu.region"() ({
      %run_scoped3A = tpu.sem_alloc : memref<!tpu.dma_semaphore, #tpu.memory_space<semaphore_mem>>
      %dma_start3A = tpu.memref_slice %arg2[%add3A_40] : memref<320000xi32, #tpu.memory_space<hbm>> -> memref<16xi32, #tpu.memory_space<hbm>>
      %dma_start3A_46 = tpu.memref_slice %arg2[%add3A_40] : memref<320000xi32, #tpu.memory_space<hbm>> -> memref<16xi32, #tpu.memory_space<hbm>>
      tpu.enqueue_dma source(%dma_start3A_46 : memref<16xi32, #tpu.memory_space<hbm>>) target(%arg6 : memref<16xi32, #tpu.memory_space<vmem>>) target_semaphore(%run_scoped3A : memref<!tpu.dma_semaphore, #tpu.memory_space<semaphore_mem>>)
      %dma_wait3A = tpu.memref_slice %arg2[%add3A_40] : memref<320000xi32, #tpu.memory_space<hbm>> -> memref<16xi32, #tpu.memory_space<hbm>>
      %dma_wait3A_47 = tpu.memref_slice %arg2[%add3A_40] : memref<320000xi32, #tpu.memory_space<hbm>> -> memref<16xi32, #tpu.memory_space<hbm>>
      tpu.wait_dma2 semaphore(%run_scoped3A : memref<!tpu.dma_semaphore, #tpu.memory_space<semaphore_mem>>) src(%dma_wait3A_47 : memref<16xi32, #tpu.memory_space<hbm>>) dst(%arg6 : memref<16xi32, #tpu.memory_space<vmem>>)
      tpu.yield
    }) : () -> ()
    "tpu.region"() ({
      %run_scoped3A = tpu.sem_alloc : memref<!tpu.dma_semaphore, #tpu.memory_space<semaphore_mem>>
      %dma_start3A = arith.constant 0 : i32
      %dma_start3A_46 = tpu.memref_slice %arg9[%dma_start3A] : memref<10240xf32, #tpu.memory_space<vmem_shared>> -> memref<10240xf32, #tpu.memory_space<vmem_shared>>
      tpu.enqueue_indirect_dma source(%arg7 : memref<16xf32, #tpu.memory_space<vmem>>) target(%dma_start3A_46 : memref<10240xf32, #tpu.memory_space<vmem_shared>>) offsets(%arg6 : memref<16xi32, #tpu.memory_space<vmem>>) semaphore(%run_scoped3A : memref<!tpu.dma_semaphore, #tpu.memory_space<semaphore_mem>>) {add = true}
      %dma_wait3A = arith.constant 0 : i32
      %dma_wait3A_47 = tpu.memref_slice %arg9[%dma_wait3A] : memref<10240xf32, #tpu.memory_space<vmem_shared>> -> memref<10240xf32, #tpu.memory_space<vmem_shared>>
      tpu.wait_indirect_dma semaphore(%run_scoped3A : memref<!tpu.dma_semaphore, #tpu.memory_space<semaphore_mem>>) src(%arg7 : memref<16xf32, #tpu.memory_space<vmem>>) dst(%dma_wait3A_47 : memref<10240xf32, #tpu.memory_space<vmem_shared>>)
      tpu.yield
    }) : () -> ()
    %barrier3A_41 = arith.constant 0 : index
    tpu.barrier barrier_id(%barrier3A_41)
    %mul3A_42 = arith.constant 640 : i32
    %mul3A_43 = arith.muli %arg1, %mul3A_42 : i32
    %mul3A_44 = arith.constant 640 : i32
    %mul3A_45 = arith.muli %arg1, %mul3A_44 : i32
    "tpu.region"() ({
      %run_scoped3A = tpu.sem_alloc : memref<!tpu.dma_semaphore, #tpu.memory_space<semaphore_mem>>
      %dma_start3A = tpu.memref_slice %arg3[%arg0, %mul3A_45] : memref<2x10240xf32, #tpu.memory_space<hbm>> -> memref<1x640xf32, #tpu.memory_space<hbm>>
      %dma_start3A_46 = tpu.memref_squeeze %dma_start3A : memref<1x640xf32, #tpu.memory_space<hbm>> -> memref<640xf32, #tpu.memory_space<hbm>>
      %dma_start3A_47 = tpu.memref_slice %arg9[%mul3A_43] : memref<10240xf32, #tpu.memory_space<vmem_shared>> -> memref<640xf32, #tpu.memory_space<vmem_shared>>
      tpu.enqueue_dma source(%dma_start3A_47 : memref<640xf32, #tpu.memory_space<vmem_shared>>) target(%dma_start3A_46 : memref<640xf32, #tpu.memory_space<hbm>>) target_semaphore(%run_scoped3A : memref<!tpu.dma_semaphore, #tpu.memory_space<semaphore_mem>>)
      %dma_wait3A = tpu.memref_slice %arg3[%arg0, %mul3A_45] : memref<2x10240xf32, #tpu.memory_space<hbm>> -> memref<1x640xf32, #tpu.memory_space<hbm>>
      %dma_wait3A_48 = tpu.memref_squeeze %dma_wait3A : memref<1x640xf32, #tpu.memory_space<hbm>> -> memref<640xf32, #tpu.memory_space<hbm>>
      %dma_wait3A_49 = tpu.memref_slice %arg9[%mul3A_43] : memref<10240xf32, #tpu.memory_space<vmem_shared>> -> memref<640xf32, #tpu.memory_space<vmem_shared>>
      tpu.wait_dma2 semaphore(%run_scoped3A : memref<!tpu.dma_semaphore, #tpu.memory_space<semaphore_mem>>) src(%dma_wait3A_49 : memref<640xf32, #tpu.memory_space<vmem_shared>>) dst(%dma_wait3A_48 : memref<640xf32, #tpu.memory_space<hbm>>)
      tpu.yield
    }) : () -> ()
    return
  }
}

#map = affine_map<(d0, d1) -> (0, 0)>
#map1 = affine_map<(d0, d1) -> (0)>
#map2 = affine_map<(d0, d1) -> (0, 0, 0)>
module attributes {stable_mosaic.version = 14 : i64} {
  func.func @_edge_body(%arg0: i32, %arg1: i32, %arg2: memref<10240x128xf32, #tpu.memory_space<hbm>>, %arg3: memref<320000xi32, #tpu.memory_space<hbm>>, %arg4: memref<320000xi32, #tpu.memory_space<hbm>>, %arg5: memref<2x10240x128xf32, #tpu.memory_space<hbm>>, %arg6: memref<128xi32, #tpu.memory_space<vmem>>, %arg7: memref<128xi32, #tpu.memory_space<vmem>>, %arg8: memref<128x128xf32, #tpu.memory_space<vmem>>, %arg9: memref<16xi32, #tpu.memory_space<vmem>>, %arg10: memref<16xi32, #tpu.memory_space<vmem>>, %arg11: memref<16x128xf32, #tpu.memory_space<vmem>>, %arg12: memref<64x128xf32, #tpu.memory_space<vmem>>, %arg13: memref<10240x128xf32, #tpu.memory_space<vmem_shared>>, %arg14: memref<!tpu.dma_semaphore, #tpu.memory_space<semaphore_mem>>) attributes {dimension_semantics = [#tpu.dimension_semantics<core_parallel>, #tpu.dimension_semantics<subcore_parallel>], iteration_bounds = array<i64: 2, 16>, scalar_prefetch = 0 : i64, scratch_operands = 9 : i64, tpu.core_type = #tpu.core_type<sc_vector_subcore>, window_params = [{transform_indices = #map}, {transform_indices = #map1}, {transform_indices = #map1}, {transform_indices = #map2}]} {
    %mul3A = arith.constant 2 : i32
    %mul3A_0 = arith.muli %arg1, %mul3A : i32
    %add3A = arith.addi %mul3A_0, %arg0 : i32
    %broadcast_in_dim3A = arith.constant 0.000000e+00 : f32
    %broadcast_in_dim3A_1 = vector.broadcast %broadcast_in_dim3A : f32 to vector<16xf32>
    %scan3A = arith.constant 0 : i32
    %scan3A_2 = arith.constant 0 : i32
    %scan3A_3 = arith.constant 512 : i32
    %scan3A_4 = arith.addi %scan3A_2, %scan3A_3 : i32
    %scan3A_5 = arith.constant 1 : i32
    %scan3A_6 = scf.for %scan3A_35 = %scan3A_2 to %scan3A_4 step %scan3A_5 iter_args(%scan3A_36 = %scan3A) -> (i32)  : i32 {
      %jit3A = arith.constant 8 : i32
      %div3A = arith.divsi %scan3A_35, %jit3A : i32
      %sign3A = arith.constant 0 : i32
      %sign3A_37 = arith.cmpi sgt, %scan3A_35, %sign3A : i32
      %sign3A_38 = arith.extui %sign3A_37 : i1 to i32
      %sign3A_39 = arith.constant 0 : i32
      %sign3A_40 = arith.cmpi slt, %scan3A_35, %sign3A_39 : i32
      %sign3A_41 = arith.extui %sign3A_40 : i1 to i32
      %sign3A_42 = arith.subi %sign3A_38, %sign3A_41 : i32
      %sign3A_43 = arith.constant 0 : i32
      %sign3A_44 = arith.cmpi sgt, %jit3A, %sign3A_43 : i32
      %sign3A_45 = arith.extui %sign3A_44 : i1 to i32
      %sign3A_46 = arith.constant 0 : i32
      %sign3A_47 = arith.cmpi slt, %jit3A, %sign3A_46 : i32
      %sign3A_48 = arith.extui %sign3A_47 : i1 to i32
      %sign3A_49 = arith.subi %sign3A_45, %sign3A_48 : i32
      %ne3A = arith.cmpi ne, %sign3A_42, %sign3A_49 : i32
      %rem3A = arith.remsi %scan3A_35, %jit3A : i32
      %ne3A_50 = arith.constant 0 : i32
      %ne3A_51 = arith.cmpi ne, %rem3A, %ne3A_50 : i32
      %and3A = arith.andi %ne3A, %ne3A_51 : i1
      %sub3A = arith.constant 1 : i32
      %sub3A_52 = arith.subi %div3A, %sub3A : i32
      %select_n3A = arith.select %and3A, %sub3A_52, %div3A : i32
      %jit3A_53 = arith.constant 8 : i32
      %eq3A = arith.constant 0 : i32
      %eq3A_54 = arith.cmpi eq, %jit3A_53, %eq3A : i32
      %jit3A_55 = arith.constant 1 : i32
      %select_n3A_56 = arith.select %eq3A_54, %jit3A_55, %jit3A_53 : i32
      %rem3A_57 = arith.remsi %scan3A_35, %select_n3A_56 : i32
      %ne3A_58 = arith.constant 0 : i32
      %ne3A_59 = arith.cmpi ne, %rem3A_57, %ne3A_58 : i32
      %lt3A = arith.constant 0 : i32
      %lt3A_60 = arith.cmpi slt, %rem3A_57, %lt3A : i32
      %lt3A_61 = arith.constant 0 : i32
      %lt3A_62 = arith.cmpi slt, %select_n3A_56, %lt3A_61 : i32
      %ne3A_63 = arith.xori %lt3A_60, %lt3A_62 : i1
      %and3A_64 = arith.andi %ne3A_63, %ne3A_59 : i1
      %add3A_65 = arith.addi %rem3A_57, %select_n3A_56 : i32
      %select_n3A_66 = arith.select %and3A_64, %add3A_65, %rem3A_57 : i32
      %mul3A_67 = arith.constant 16 : i32
      %mul3A_68 = arith.muli %select_n3A_66, %mul3A_67 : i32
      %swap3A = arith.index_cast %select_n3A : i32 to index
      %swap3A_69 = arith.index_cast %mul3A_68 : i32 to index
      %swap3A_70 = tpu.vector_load %arg12[%swap3A, %swap3A_69] {strides = array<i32>} : memref<64x128xf32, #tpu.memory_space<vmem>>, vector<1x16xf32>,
      %swap3A_71 = vector.shape_cast %swap3A_70 : vector<1x16xf32> to vector<16xf32>
      %swap3A_72 = vector.shape_cast %broadcast_in_dim3A_1 : vector<16xf32> to vector<1x16xf32>
      tpu.vector_store %arg12[%swap3A, %swap3A_69], %swap3A_72 {strides = array<i32>} : memref<64x128xf32, #tpu.memory_space<vmem>>, vector<1x16xf32>,
      %scan3A_73 = arith.constant 0 : i32
      scf.yield %scan3A_73 : i32
    }
    %scan3A_7 = arith.constant 512 : i32
    %scan3A_8 = arith.constant 0 : i32
    %scan3A_9 = arith.constant 0 : i32
    %scan3A_10 = arith.constant 10 : i32
    %scan3A_11 = arith.addi %scan3A_9, %scan3A_10 : i32
    %scan3A_12 = arith.constant 1 : i32
    %scan3A_13 = scf.for %scan3A_35 = %scan3A_9 to %scan3A_11 step %scan3A_12 iter_args(%scan3A_36 = %scan3A_8) -> (i32)  : i32 {
      %mul3A_37 = arith.constant 640 : i32
      %mul3A_38 = arith.muli %arg1, %mul3A_37 : i32
      %mul3A_39 = arith.constant 64 : i32
      %mul3A_40 = arith.muli %scan3A_35, %mul3A_39 : i32
      %add3A_41 = arith.addi %mul3A_38, %mul3A_40 : i32
      "tpu.region"() ({
        %run_scoped3A = tpu.sem_alloc : memref<!tpu.dma_semaphore, #tpu.memory_space<semaphore_mem>>
        %dma_start3A_43 = arith.constant 0 : i32
        %dma_start3A_44 = tpu.memref_slice %arg13[%add3A_41, %dma_start3A_43] : memref<10240x128xf32, #tpu.memory_space<vmem_shared>> -> memref<64x128xf32, #tpu.memory_space<vmem_shared>>
        %dma_start3A_45 = arith.constant 0 : i32
        %dma_start3A_46 = tpu.memref_slice %arg13[%add3A_41, %dma_start3A_45] : memref<10240x128xf32, #tpu.memory_space<vmem_shared>> -> memref<64x128xf32, #tpu.memory_space<vmem_shared>>
        tpu.enqueue_dma source(%arg12 : memref<64x128xf32, #tpu.memory_space<vmem>>) target(%dma_start3A_46 : memref<64x128xf32, #tpu.memory_space<vmem_shared>>) target_semaphore(%run_scoped3A : memref<!tpu.dma_semaphore, #tpu.memory_space<semaphore_mem>>)
        %dma_wait3A_47 = arith.constant 0 : i32
        %dma_wait3A_48 = tpu.memref_slice %arg13[%add3A_41, %dma_wait3A_47] : memref<10240x128xf32, #tpu.memory_space<vmem_shared>> -> memref<64x128xf32, #tpu.memory_space<vmem_shared>>
        %dma_wait3A_49 = arith.constant 0 : i32
        %dma_wait3A_50 = tpu.memref_slice %arg13[%add3A_41, %dma_wait3A_49] : memref<10240x128xf32, #tpu.memory_space<vmem_shared>> -> memref<64x128xf32, #tpu.memory_space<vmem_shared>>
        tpu.wait_dma2 semaphore(%run_scoped3A : memref<!tpu.dma_semaphore, #tpu.memory_space<semaphore_mem>>) src(%arg12 : memref<64x128xf32, #tpu.memory_space<vmem>>) dst(%dma_wait3A_50 : memref<64x128xf32, #tpu.memory_space<vmem_shared>>)
        tpu.yield
      }) : () -> ()
      %scan3A_42 = arith.constant 0 : i32
      scf.yield %scan3A_42 : i32
    }
    %scan3A_14 = arith.constant 10 : i32
    %barrier3A = arith.constant 0 : index
    tpu.barrier barrier_id(%barrier3A)
    %mul3A_15 = arith.constant 10000 : i32
    %mul3A_16 = arith.muli %add3A, %mul3A_15 : i32
    %scan3A_17 = arith.constant 0 : i32
    %scan3A_18 = arith.constant 0 : i32
    %scan3A_19 = arith.constant 78 : i32
    %scan3A_20 = arith.addi %scan3A_18, %scan3A_19 : i32
    %scan3A_21 = arith.constant 1 : i32
    %scan3A_22 = scf.for %scan3A_35 = %scan3A_18 to %scan3A_20 step %scan3A_21 iter_args(%scan3A_36 = %scan3A_17) -> (i32)  : i32 {
      %mul3A_37 = arith.constant 128 : i32
      %mul3A_38 = arith.muli %scan3A_35, %mul3A_37 : i32
      %add3A_39 = arith.addi %mul3A_16, %mul3A_38 : i32
      "tpu.region"() ({
        %run_scoped3A = tpu.sem_alloc : memref<!tpu.dma_semaphore, #tpu.memory_space<semaphore_mem>>
        %dma_start3A_47 = tpu.memref_slice %arg3[%add3A_39] : memref<320000xi32, #tpu.memory_space<hbm>> -> memref<128xi32, #tpu.memory_space<hbm>>
        %dma_start3A_48 = tpu.memref_slice %arg3[%add3A_39] : memref<320000xi32, #tpu.memory_space<hbm>> -> memref<128xi32, #tpu.memory_space<hbm>>
        tpu.enqueue_dma source(%dma_start3A_48 : memref<128xi32, #tpu.memory_space<hbm>>) target(%arg6 : memref<128xi32, #tpu.memory_space<vmem>>) target_semaphore(%run_scoped3A : memref<!tpu.dma_semaphore, #tpu.memory_space<semaphore_mem>>)
        %dma_wait3A_49 = tpu.memref_slice %arg3[%add3A_39] : memref<320000xi32, #tpu.memory_space<hbm>> -> memref<128xi32, #tpu.memory_space<hbm>>
        %dma_wait3A_50 = tpu.memref_slice %arg3[%add3A_39] : memref<320000xi32, #tpu.memory_space<hbm>> -> memref<128xi32, #tpu.memory_space<hbm>>
        tpu.wait_dma2 semaphore(%run_scoped3A : memref<!tpu.dma_semaphore, #tpu.memory_space<semaphore_mem>>) src(%dma_wait3A_50 : memref<128xi32, #tpu.memory_space<hbm>>) dst(%arg6 : memref<128xi32, #tpu.memory_space<vmem>>)
        tpu.yield
      }) : () -> ()
      "tpu.region"() ({
        %run_scoped3A = tpu.sem_alloc : memref<!tpu.dma_semaphore, #tpu.memory_space<semaphore_mem>>
        %dma_start3A_47 = tpu.memref_slice %arg4[%add3A_39] : memref<320000xi32, #tpu.memory_space<hbm>> -> memref<128xi32, #tpu.memory_space<hbm>>
        %dma_start3A_48 = tpu.memref_slice %arg4[%add3A_39] : memref<320000xi32, #tpu.memory_space<hbm>> -> memref<128xi32, #tpu.memory_space<hbm>>
        tpu.enqueue_dma source(%dma_start3A_48 : memref<128xi32, #tpu.memory_space<hbm>>) target(%arg7 : memref<128xi32, #tpu.memory_space<vmem>>) target_semaphore(%run_scoped3A : memref<!tpu.dma_semaphore, #tpu.memory_space<semaphore_mem>>)
        %dma_wait3A_49 = tpu.memref_slice %arg4[%add3A_39] : memref<320000xi32, #tpu.memory_space<hbm>> -> memref<128xi32, #tpu.memory_space<hbm>>
        %dma_wait3A_50 = tpu.memref_slice %arg4[%add3A_39] : memref<320000xi32, #tpu.memory_space<hbm>> -> memref<128xi32, #tpu.memory_space<hbm>>
        tpu.wait_dma2 semaphore(%run_scoped3A : memref<!tpu.dma_semaphore, #tpu.memory_space<semaphore_mem>>) src(%dma_wait3A_50 : memref<128xi32, #tpu.memory_space<hbm>>) dst(%arg7 : memref<128xi32, #tpu.memory_space<vmem>>)
        tpu.yield
      }) : () -> ()
      %dma_start3A_40 = arith.constant 0 : i32
      %dma_start3A_41 = arith.constant 0 : i32
      %dma_start3A_42 = tpu.memref_slice %arg2[%dma_start3A_40, %dma_start3A_41] : memref<10240x128xf32, #tpu.memory_space<hbm>> -> memref<10240x128xf32, #tpu.memory_space<hbm>>
      tpu.enqueue_indirect_dma source(%dma_start3A_42 : memref<10240x128xf32, #tpu.memory_space<hbm>>) target(%arg8 : memref<128x128xf32, #tpu.memory_space<vmem>>) offsets(%arg6 : memref<128xi32, #tpu.memory_space<vmem>>) semaphore(%arg14 : memref<!tpu.dma_semaphore, #tpu.memory_space<semaphore_mem>>)
      %dma_wait3A_43 = arith.constant 0 : i32
      %dma_wait3A_44 = arith.constant 0 : i32
      %dma_wait3A_45 = tpu.memref_slice %arg2[%dma_wait3A_43, %dma_wait3A_44] : memref<10240x128xf32, #tpu.memory_space<hbm>> -> memref<10240x128xf32, #tpu.memory_space<hbm>>
      tpu.wait_indirect_dma semaphore(%arg14 : memref<!tpu.dma_semaphore, #tpu.memory_space<semaphore_mem>>) src(%dma_wait3A_45 : memref<10240x128xf32, #tpu.memory_space<hbm>>) dst(%arg8 : memref<128x128xf32, #tpu.memory_space<vmem>>)
      "tpu.region"() ({
        %run_scoped3A = tpu.sem_alloc : memref<!tpu.dma_semaphore, #tpu.memory_space<semaphore_mem>>
        %dma_start3A_47 = arith.constant 0 : i32
        %dma_start3A_48 = arith.constant 0 : i32
        %dma_start3A_49 = tpu.memref_slice %arg13[%dma_start3A_47, %dma_start3A_48] : memref<10240x128xf32, #tpu.memory_space<vmem_shared>> -> memref<10240x128xf32, #tpu.memory_space<vmem_shared>>
        tpu.enqueue_indirect_dma source(%arg8 : memref<128x128xf32, #tpu.memory_space<vmem>>) target(%dma_start3A_49 : memref<10240x128xf32, #tpu.memory_space<vmem_shared>>) offsets(%arg7 : memref<128xi32, #tpu.memory_space<vmem>>) semaphore(%run_scoped3A : memref<!tpu.dma_semaphore, #tpu.memory_space<semaphore_mem>>) {add = true}
        %dma_wait3A_50 = arith.constant 0 : i32
        %dma_wait3A_51 = arith.constant 0 : i32
        %dma_wait3A_52 = tpu.memref_slice %arg13[%dma_wait3A_50, %dma_wait3A_51] : memref<10240x128xf32, #tpu.memory_space<vmem_shared>> -> memref<10240x128xf32, #tpu.memory_space<vmem_shared>>
        tpu.wait_indirect_dma semaphore(%run_scoped3A : memref<!tpu.dma_semaphore, #tpu.memory_space<semaphore_mem>>) src(%arg8 : memref<128x128xf32, #tpu.memory_space<vmem>>) dst(%dma_wait3A_52 : memref<10240x128xf32, #tpu.memory_space<vmem_shared>>)
        tpu.yield
      }) : () -> ()
      %scan3A_46 = arith.constant 0 : i32
      scf.yield %scan3A_46 : i32
    }
    %scan3A_23 = arith.constant 78 : i32
    %add3A_24 = arith.constant 9984 : i32
    %add3A_25 = arith.addi %mul3A_16, %add3A_24 : i32
    "tpu.region"() ({
      %run_scoped3A = tpu.sem_alloc : memref<!tpu.dma_semaphore, #tpu.memory_space<semaphore_mem>>
      %dma_start3A_35 = tpu.memref_slice %arg3[%add3A_25] : memref<320000xi32, #tpu.memory_space<hbm>> -> memref<16xi32, #tpu.memory_space<hbm>>
      %dma_start3A_36 = tpu.memref_slice %arg3[%add3A_25] : memref<320000xi32, #tpu.memory_space<hbm>> -> memref<16xi32, #tpu.memory_space<hbm>>
      tpu.enqueue_dma source(%dma_start3A_36 : memref<16xi32, #tpu.memory_space<hbm>>) target(%arg9 : memref<16xi32, #tpu.memory_space<vmem>>) target_semaphore(%run_scoped3A : memref<!tpu.dma_semaphore, #tpu.memory_space<semaphore_mem>>)
      %dma_wait3A_37 = tpu.memref_slice %arg3[%add3A_25] : memref<320000xi32, #tpu.memory_space<hbm>> -> memref<16xi32, #tpu.memory_space<hbm>>
      %dma_wait3A_38 = tpu.memref_slice %arg3[%add3A_25] : memref<320000xi32, #tpu.memory_space<hbm>> -> memref<16xi32, #tpu.memory_space<hbm>>
      tpu.wait_dma2 semaphore(%run_scoped3A : memref<!tpu.dma_semaphore, #tpu.memory_space<semaphore_mem>>) src(%dma_wait3A_38 : memref<16xi32, #tpu.memory_space<hbm>>) dst(%arg9 : memref<16xi32, #tpu.memory_space<vmem>>)
      tpu.yield
    }) : () -> ()
    "tpu.region"() ({
      %run_scoped3A = tpu.sem_alloc : memref<!tpu.dma_semaphore, #tpu.memory_space<semaphore_mem>>
      %dma_start3A_35 = tpu.memref_slice %arg4[%add3A_25] : memref<320000xi32, #tpu.memory_space<hbm>> -> memref<16xi32, #tpu.memory_space<hbm>>
      %dma_start3A_36 = tpu.memref_slice %arg4[%add3A_25] : memref<320000xi32, #tpu.memory_space<hbm>> -> memref<16xi32, #tpu.memory_space<hbm>>
      tpu.enqueue_dma source(%dma_start3A_36 : memref<16xi32, #tpu.memory_space<hbm>>) target(%arg10 : memref<16xi32, #tpu.memory_space<vmem>>) target_semaphore(%run_scoped3A : memref<!tpu.dma_semaphore, #tpu.memory_space<semaphore_mem>>)
      %dma_wait3A_37 = tpu.memref_slice %arg4[%add3A_25] : memref<320000xi32, #tpu.memory_space<hbm>> -> memref<16xi32, #tpu.memory_space<hbm>>
      %dma_wait3A_38 = tpu.memref_slice %arg4[%add3A_25] : memref<320000xi32, #tpu.memory_space<hbm>> -> memref<16xi32, #tpu.memory_space<hbm>>
      tpu.wait_dma2 semaphore(%run_scoped3A : memref<!tpu.dma_semaphore, #tpu.memory_space<semaphore_mem>>) src(%dma_wait3A_38 : memref<16xi32, #tpu.memory_space<hbm>>) dst(%arg10 : memref<16xi32, #tpu.memory_space<vmem>>)
      tpu.yield
    }) : () -> ()
    %dma_start3A = arith.constant 0 : i32
    %dma_start3A_26 = arith.constant 0 : i32
    %dma_start3A_27 = tpu.memref_slice %arg2[%dma_start3A, %dma_start3A_26] : memref<10240x128xf32, #tpu.memory_space<hbm>> -> memref<10240x128xf32, #tpu.memory_space<hbm>>
    tpu.enqueue_indirect_dma source(%dma_start3A_27 : memref<10240x128xf32, #tpu.memory_space<hbm>>) target(%arg11 : memref<16x128xf32, #tpu.memory_space<vmem>>) offsets(%arg9 : memref<16xi32, #tpu.memory_space<vmem>>) semaphore(%arg14 : memref<!tpu.dma_semaphore, #tpu.memory_space<semaphore_mem>>)
    %dma_wait3A = arith.constant 0 : i32
    %dma_wait3A_28 = arith.constant 0 : i32
    %dma_wait3A_29 = tpu.memref_slice %arg2[%dma_wait3A, %dma_wait3A_28] : memref<10240x128xf32, #tpu.memory_space<hbm>> -> memref<10240x128xf32, #tpu.memory_space<hbm>>
    tpu.wait_indirect_dma semaphore(%arg14 : memref<!tpu.dma_semaphore, #tpu.memory_space<semaphore_mem>>) src(%dma_wait3A_29 : memref<10240x128xf32, #tpu.memory_space<hbm>>) dst(%arg11 : memref<16x128xf32, #tpu.memory_space<vmem>>)
    "tpu.region"() ({
      %run_scoped3A = tpu.sem_alloc : memref<!tpu.dma_semaphore, #tpu.memory_space<semaphore_mem>>
      %dma_start3A_35 = arith.constant 0 : i32
      %dma_start3A_36 = arith.constant 0 : i32
      %dma_start3A_37 = tpu.memref_slice %arg13[%dma_start3A_35, %dma_start3A_36] : memref<10240x128xf32, #tpu.memory_space<vmem_shared>> -> memref<10240x128xf32, #tpu.memory_space<vmem_shared>>
      tpu.enqueue_indirect_dma source(%arg11 : memref<16x128xf32, #tpu.memory_space<vmem>>) target(%dma_start3A_37 : memref<10240x128xf32, #tpu.memory_space<vmem_shared>>) offsets(%arg10 : memref<16xi32, #tpu.memory_space<vmem>>) semaphore(%run_scoped3A : memref<!tpu.dma_semaphore, #tpu.memory_space<semaphore_mem>>) {add = true}
      %dma_wait3A_38 = arith.constant 0 : i32
      %dma_wait3A_39 = arith.constant 0 : i32
      %dma_wait3A_40 = tpu.memref_slice %arg13[%dma_wait3A_38, %dma_wait3A_39] : memref<10240x128xf32, #tpu.memory_space<vmem_shared>> -> memref<10240x128xf32, #tpu.memory_space<vmem_shared>>
      tpu.wait_indirect_dma semaphore(%run_scoped3A : memref<!tpu.dma_semaphore, #tpu.memory_space<semaphore_mem>>) src(%arg11 : memref<16x128xf32, #tpu.memory_space<vmem>>) dst(%dma_wait3A_40 : memref<10240x128xf32, #tpu.memory_space<vmem_shared>>)
      tpu.yield
    }) : () -> ()
    %barrier3A_30 = arith.constant 0 : index
    tpu.barrier barrier_id(%barrier3A_30)
    %mul3A_31 = arith.constant 640 : i32
    %mul3A_32 = arith.muli %arg1, %mul3A_31 : i32
    %mul3A_33 = arith.constant 640 : i32
    %mul3A_34 = arith.muli %arg1, %mul3A_33 : i32
    "tpu.region"() ({
      %run_scoped3A = tpu.sem_alloc : memref<!tpu.dma_semaphore, #tpu.memory_space<semaphore_mem>>
      %dma_start3A_35 = arith.constant 0 : i32
      %dma_start3A_36 = tpu.memref_slice %arg5[%arg0, %mul3A_34, %dma_start3A_35] : memref<2x10240x128xf32, #tpu.memory_space<hbm>> -> memref<1x640x128xf32, #tpu.memory_space<hbm>>
      %dma_start3A_37 = tpu.memref_squeeze %dma_start3A_36 : memref<1x640x128xf32, #tpu.memory_space<hbm>> -> memref<640x128xf32, #tpu.memory_space<hbm>>
      %dma_start3A_38 = arith.constant 0 : i32
      %dma_start3A_39 = tpu.memref_slice %arg13[%mul3A_32, %dma_start3A_38] : memref<10240x128xf32, #tpu.memory_space<vmem_shared>> -> memref<640x128xf32, #tpu.memory_space<vmem_shared>>
      tpu.enqueue_dma source(%dma_start3A_39 : memref<640x128xf32, #tpu.memory_space<vmem_shared>>) target(%dma_start3A_37 : memref<640x128xf32, #tpu.memory_space<hbm>>) target_semaphore(%run_scoped3A : memref<!tpu.dma_semaphore, #tpu.memory_space<semaphore_mem>>)
      %dma_wait3A_40 = arith.constant 0 : i32
      %dma_wait3A_41 = tpu.memref_slice %arg5[%arg0, %mul3A_34, %dma_wait3A_40] : memref<2x10240x128xf32, #tpu.memory_space<hbm>> -> memref<1x640x128xf32, #tpu.memory_space<hbm>>
      %dma_wait3A_42 = tpu.memref_squeeze %dma_wait3A_41 : memref<1x640x128xf32, #tpu.memory_space<hbm>> -> memref<640x128xf32, #tpu.memory_space<hbm>>
      %dma_wait3A_43 = arith.constant 0 : i32
      %dma_wait3A_44 = tpu.memref_slice %arg13[%mul3A_32, %dma_wait3A_43] : memref<10240x128xf32, #tpu.memory_space<vmem_shared>> -> memref<640x128xf32, #tpu.memory_space<vmem_shared>>
      tpu.wait_dma2 semaphore(%run_scoped3A : memref<!tpu.dma_semaphore, #tpu.memory_space<semaphore_mem>>) src(%dma_wait3A_44 : memref<640x128xf32, #tpu.memory_space<vmem_shared>>) dst(%dma_wait3A_42 : memref<640x128xf32, #tpu.memory_space<hbm>>)
      tpu.yield
    }) : () -> ()
    return
  }
}

module attributes {stable_mosaic.version = 14 : i64} {
  func.func @_prep_body(%arg0: i32, %arg1: memref<1280x128xf32, #tpu.memory_space<vmem>>, %arg2: memref<128x128xf32, #tpu.memory_space<vmem>>, %arg3: memref<1280x1xf32, #tpu.memory_space<vmem>>, %arg4: memref<1280x1xf32, #tpu.memory_space<vmem>>, %arg5: memref<1280x128xf32, #tpu.memory_space<vmem>>, %arg6: memref<1280x1xf32, #tpu.memory_space<vmem>>) attributes {dimension_semantics = [#tpu.dimension_semantics<arbitrary>], iteration_bounds = array<i64: 8>, scalar_prefetch = 0 : i64, scratch_operands = 0 : i64, tpu.core_type = #tpu.core_type<tc>, window_params = [{transform_indices = @transform_0, window_bounds = array<i64: 1280, 128>}, {pipeline_mode = #tpu.pipeline_mode<synchronous>, transform_indices = @transform_1, window_bounds = array<i64: 128, 128>}, {transform_indices = @transform_2, window_bounds = array<i64: 1280, 1>}, {transform_indices = @transform_3, window_bounds = array<i64: 1280, 1>}, {transform_indices = @transform_4, window_bounds = array<i64: 1280, 128>}, {transform_indices = @transform_5, window_bounds = array<i64: 1280, 1>}]} {
    %get3A = arith.constant 0 : index
    %get3A_0 = arith.constant 0 : index
    %get3A_1 = vector.load %arg3[%get3A, %get3A_0] : memref<1280x1xf32, #tpu.memory_space<vmem>>, vector<1280x1xf32>
    %get3A_2 = arith.constant 0 : index
    %get3A_3 = arith.constant 0 : index
    %get3A_4 = vector.load %arg4[%get3A_2, %get3A_3] : memref<1280x1xf32, #tpu.memory_space<vmem>>, vector<1280x1xf32>
    %add3A = arith.addf %get3A_1, %get3A_4 : vector<1280x1xf32>
    %add3A_5 = arith.constant 1.000000e+00 : f32
    %add3A_6 = vector.broadcast %add3A_5 : f32 to vector<1280x1xf32>
    %add3A_7 = arith.addf %add3A, %add3A_6 : vector<1280x1xf32>
    %rsqrt3A = math.rsqrt %add3A_7 : vector<1280x1xf32>
    %get3A_8 = arith.constant 0 : index
    %get3A_9 = arith.constant 0 : index
    %get3A_10 = vector.load %arg1[%get3A_8, %get3A_9] : memref<1280x128xf32, #tpu.memory_space<vmem>>, vector<1280x128xf32>
    %get3A_11 = arith.constant 0 : index
    %get3A_12 = arith.constant 0 : index
    %get3A_13 = vector.load %arg2[%get3A_11, %get3A_12] : memref<128x128xf32, #tpu.memory_space<vmem>>, vector<128x128xf32>
    %dot_general3A = arith.constant dense<0.000000e+00> : vector<1280x128xf32>
    %dot_general3A_14 = tpu.matmul %get3A_10, %get3A_13, %dot_general3A {dimension_numbers = #tpu.dot_dimension_numbers<[1], [0], [0], [1], [0, 0, 1, 1], [], []>, transpose_lhs_hint = false} : vector<1280x128xf32>, vector<128x128xf32>, vector<1280x128xf32> -> vector<1280x128xf32>
    %mul3A = vector.broadcast %rsqrt3A : vector<1280x1xf32> to vector<1280x128xf32>
    %mul3A_15 = arith.mulf %dot_general3A_14, %mul3A : vector<1280x128xf32>
    %swap3A = arith.constant 0 : index
    %swap3A_16 = arith.constant 0 : index
    %swap3A_17 = vector.load %arg5[%swap3A, %swap3A_16] : memref<1280x128xf32, #tpu.memory_space<vmem>>, vector<1280x128xf32>
    tpu.vector_store %arg5[%swap3A, %swap3A_16], %mul3A_15 {strides = array<i32>} : memref<1280x128xf32, #tpu.memory_space<vmem>>, vector<1280x128xf32>,
    %swap3A_18 = arith.constant 0 : index
    %swap3A_19 = arith.constant 0 : index
    %swap3A_20 = vector.load %arg6[%swap3A_18, %swap3A_19] : memref<1280x1xf32, #tpu.memory_space<vmem>>, vector<1280x1xf32>
    tpu.vector_store %arg6[%swap3A_18, %swap3A_19], %rsqrt3A {strides = array<i32>} : memref<1280x1xf32, #tpu.memory_space<vmem>>, vector<1280x1xf32>,
    return
  }
  func.func @transform_0(%arg0: i32) -> (i32, i32) {
    %c0_i32 = arith.constant 0 : i32
    %c0_i32_0 = arith.constant 0 : i32
    return %arg0, %c0_i32 : i32, i32
  }
  func.func @transform_1(%arg0: i32) -> (i32, i32) {
    %c0_i32 = arith.constant 0 : i32
    %c0_i32_0 = arith.constant 0 : i32
    %c0_i32_1 = arith.constant 0 : i32
    return %c0_i32, %c0_i32_0 : i32, i32
  }
  func.func @transform_2(%arg0: i32) -> (i32, i32) {
    %c0_i32 = arith.constant 0 : i32
    %c0_i32_0 = arith.constant 0 : i32
    return %arg0, %c0_i32 : i32, i32
  }
  func.func @transform_3(%arg0: i32) -> (i32, i32) {
    %c0_i32 = arith.constant 0 : i32
    %c0_i32_0 = arith.constant 0 : i32
    return %arg0, %c0_i32 : i32, i32
  }
  func.func @transform_4(%arg0: i32) -> (i32, i32) {
    %c0_i32 = arith.constant 0 : i32
    %c0_i32_0 = arith.constant 0 : i32
    return %arg0, %c0_i32 : i32, i32
  }
  func.func @transform_5(%arg0: i32) -> (i32, i32) {
    %c0_i32 = arith.constant 0 : i32
    %c0_i32_0 = arith.constant 0 : i32
    return %arg0, %c0_i32 : i32, i32
  }
}

module attributes {stable_mosaic.version = 14 : i64} {
  func.func @_final_body(%arg0: i32, %arg1: memref<2x1280x128xf32, #tpu.memory_space<vmem>>, %arg2: memref<1280x128xf32, #tpu.memory_space<vmem>>, %arg3: memref<1280x1xf32, #tpu.memory_space<vmem>>, %arg4: memref<1x128xf32, #tpu.memory_space<vmem>>, %arg5: memref<1280x128xf32, #tpu.memory_space<vmem>>) attributes {dimension_semantics = [#tpu.dimension_semantics<arbitrary>], iteration_bounds = array<i64: 8>, scalar_prefetch = 0 : i64, scratch_operands = 0 : i64, tpu.core_type = #tpu.core_type<tc>, window_params = [{transform_indices = @transform_0, window_bounds = array<i64: 2, 1280, 128>}, {transform_indices = @transform_1, window_bounds = array<i64: 1280, 128>}, {transform_indices = @transform_2, window_bounds = array<i64: 1280, 1>}, {pipeline_mode = #tpu.pipeline_mode<synchronous>, transform_indices = @transform_3, window_bounds = array<i64: 1, 128>}, {transform_indices = @transform_4, window_bounds = array<i64: 1280, 128>}]} {
    %get3A = arith.constant 0 : index
    %get3A_0 = arith.constant 0 : index
    %get3A_1 = arith.constant 0 : index
    %get3A_2 = vector.load %arg1[%get3A, %get3A_0, %get3A_1] : memref<2x1280x128xf32, #tpu.memory_space<vmem>>, vector<1x1280x128xf32>
    %get3A_3 = vector.shape_cast %get3A_2 : vector<1x1280x128xf32> to vector<1280x128xf32>
    %get3A_4 = arith.constant 1 : index
    %get3A_5 = arith.constant 0 : index
    %get3A_6 = arith.constant 0 : index
    %get3A_7 = vector.load %arg1[%get3A_4, %get3A_5, %get3A_6] : memref<2x1280x128xf32, #tpu.memory_space<vmem>>, vector<1x1280x128xf32>
    %get3A_8 = vector.shape_cast %get3A_7 : vector<1x1280x128xf32> to vector<1280x128xf32>
    %add3A = arith.addf %get3A_3, %get3A_8 : vector<1280x128xf32>
    %get3A_9 = arith.constant 0 : index
    %get3A_10 = arith.constant 0 : index
    %get3A_11 = vector.load %arg2[%get3A_9, %get3A_10] : memref<1280x128xf32, #tpu.memory_space<vmem>>, vector<1280x128xf32>
    %add3A_12 = arith.addf %add3A, %get3A_11 : vector<1280x128xf32>
    %get3A_13 = arith.constant 0 : index
    %get3A_14 = arith.constant 0 : index
    %get3A_15 = vector.load %arg3[%get3A_13, %get3A_14] : memref<1280x1xf32, #tpu.memory_space<vmem>>, vector<1280x1xf32>
    %mul3A = vector.broadcast %get3A_15 : vector<1280x1xf32> to vector<1280x128xf32>
    %mul3A_16 = arith.mulf %add3A_12, %mul3A : vector<1280x128xf32>
    %get3A_17 = arith.constant 0 : index
    %get3A_18 = arith.constant 0 : index
    %get3A_19 = vector.load %arg4[%get3A_17, %get3A_18] : memref<1x128xf32, #tpu.memory_space<vmem>>, vector<1x128xf32>
    %add3A_20 = vector.broadcast %get3A_19 : vector<1x128xf32> to vector<1280x128xf32>
    %add3A_21 = arith.addf %mul3A_16, %add3A_20 : vector<1280x128xf32>
    %max3A = arith.constant 0.000000e+00 : f32
    %max3A_22 = vector.broadcast %max3A : f32 to vector<1280x128xf32>
    %max3A_23 = arith.maximumf %add3A_21, %max3A_22 : vector<1280x128xf32>
    %swap3A = arith.constant 0 : index
    %swap3A_24 = arith.constant 0 : index
    %swap3A_25 = vector.load %arg5[%swap3A, %swap3A_24] : memref<1280x128xf32, #tpu.memory_space<vmem>>, vector<1280x128xf32>
    tpu.vector_store %arg5[%swap3A, %swap3A_24], %max3A_23 {strides = array<i32>} : memref<1280x128xf32, #tpu.memory_space<vmem>>, vector<1280x128xf32>,
    return
  }
  func.func @transform_0(%arg0: i32) -> (i32, i32, i32) {
    %c0_i32 = arith.constant 0 : i32
    %c0_i32_0 = arith.constant 0 : i32
    %c0_i32_1 = arith.constant 0 : i32
    return %c0_i32, %arg0, %c0_i32_0 : i32, i32, i32
  }
  func.func @transform_1(%arg0: i32) -> (i32, i32) {
    %c0_i32 = arith.constant 0 : i32
    %c0_i32_0 = arith.constant 0 : i32
    return %arg0, %c0_i32 : i32, i32
  }
  func.func @transform_2(%arg0: i32) -> (i32, i32) {
    %c0_i32 = arith.constant 0 : i32
    %c0_i32_0 = arith.constant 0 : i32
    return %arg0, %c0_i32 : i32, i32
  }
  func.func @transform_3(%arg0: i32) -> (i32, i32) {
    %c0_i32 = arith.constant 0 : i32
    %c0_i32_0 = arith.constant 0 : i32
    %c0_i32_1 = arith.constant 0 : i32
    return %c0_i32, %c0_i32_0 : i32, i32
  }
  func.func @transform_4(%arg0: i32) -> (i32, i32) {
    %c0_i32 = arith.constant 0 : i32
    %c0_i32_0 = arith.constant 0 : i32
    return %arg0, %c0_i32 : i32, i32
  }
}

</mosaic_0001>

<sc_bundles>
// kernel: kernel.6.cloned.1.call-start
scs
__scs_entry_jumppad:
0x0: {  	(pc) =	sbr.rel $0x88, $3  }
0x1: {  	(tag) =	ssettag $0x0;
	lr =	simm.s32 $0x1  }
0x2: {  	[smem:$0x3F9D] =	sst lr;
	_ =	strace $0xD0000000  }
0x3: {  	_ = 	snop  }
0x4: {  	_ = 	snop  }
0x5: {  	_ = 	snop  }
0x6: {  	_ = 	snop  }
0x7: {  	_ = 	snop  }
__scs_overlays_trampoline_lowered:
0x8: {  	[smem:$0x3FAC] =	sst s0  }
0x9: {  	[smem:$0x3FAD] =	sst s1  }
0xa: {  	[smem:$0x3FAE] =	sst s2  }
0xb: {  	[smem:$0x3FAF] =	sst s3  }
0xc: {  	[smem:$0x3FB0] =	sst s4  }
0xd: {  	[smem:$0x3FB1] =	sst s5  }
0xe: {  	[smem:$0x3FB2] =	sst s6  }
0xf: {  	[smem:$0x3FB3] =	sst s7  }
0x10: {  	[smem:$0x3FB4] =	sst s8  }
0x11: {  	[smem:$0x3FB5] =	sst s9;
	s0 =	simm.s32 @!p0 $0x0  }
0x12: {  	s1 =	sld [smem:$0x3F9B];
	s0 =	simm.s32 @p0 $0x1  }
0x13: {  	[smem:$0x3FB6] =	sst s0;
	s0 =	simm.s32 @!p1 $0x0  }
0x14: {  	s2 =	sld [smem:$0x3F9A];
	s0 =	simm.s32 @p1 $0x1  }
0x15: {  	[smem:$0x3FB7] =	sst s0;
	s0 =	simm.s32 @!p2 $0x0  }
0x16: {  	s3 =	sld [smem:$0x3FDB];
	s0 =	simm.s32 @p2 $0x1  }
0x17: {  	s4 =	simm.s32 $0x1BF5;
	[smem:$0x3FB9] =	sst s0  }
0x18: {  	s0 =	sld [smem:$0x3F9C];
	_ =	swait.ge [sflag:s4], $0x0  }
0x19: {  	s7 =	sld [smem:$0x3F9D]  }
0x1a: {  	s8 =	sadd.s32 $0xFFFFE003, lr  }
0x1b: {  	s9 =	sadd.s32 $0xFFFFFEF7, lr;
	s5 =	simm.s32 $0xFFFFFFFF;
	p2 =	slt.u32 s8, $0xFFFFF086  }
0x1c: {  	p1 =	slt.u32 s9, $0xF7A;
	s5 =	simm.s32 @!p2 $0x0  }
0x1d: {  	s5 =	simm.s32 @p1 $0x1;
	p0 =	seq.s32 s7, s2  }
0x1e: {  	s7 =	smul.u32 @!p0 $0xF7A, s2;
	p2 =	seq.s32 @!p0 s5, $0x0  }
0x1f: {  	s9 =	smul.u32 $0xF7A, s1;
	s8 =	simm.s32 @!p0 $0x1BF5;
	p2 =	por !p2, p0  }
0x20: {  	[sflag:s8] =	ssyncset.s32 @!p0 $0xFFFFF086;
	s6 =	sadd.s32 @!p0 s3, s7;
	s7 =	simm.s32 @!p0 $0x108  }
0x21: {  	s3 =	sadd.s32 s3, s9;
	s6 =	sadd.s32 @!p0 $0x88, s6;
	s7 =	simm.s32 @p2 $0x1082  }
0x22: {  	[simem:s7], [sflag:s8] =	dma.local @!p0 [hbm:s6], $0xF7A  }
0x23: {  	s9 =	sor.u32 $0xD0000000, s2;
	s6 =	simm.s32 $0x108;
	_ =	swait.ge @!p0 [sflag:s8], $0x0  }
0x24: {  	s3 =	sadd.s32 $0x88, s3;
	s6 =	simm.s32 @!p1 $0x1082;
	[sflag:s4] =	ssyncset.s32 $0xFFFFF086  }
0x25: {  	[simem:s6], [sflag:s4] =	dma.local [hbm:s3], $0xF7A  }
0x26: {  	[smem:$0x3F9D] =	sst s1;
	(tag) =	ssettag s2;
	_ =	strace s9  }
0x27: {  	s1 =	sld [smem:$0x3FAD]  }
0x28: {  	s2 =	sld [smem:$0x3FAE]  }
0x29: {  	s4 =	sld [smem:$0x3FB0]  }
0x2a: {  	p0 =	seq.s32 s5, $0x0;
	s5 =	sld [smem:$0x3FB1]  }
0x2b: {  	s6 =	sld [smem:$0x3FB2]  }
0x2c: {  	s7 =	sld [smem:$0x3FB3]  }
0x2d: {  	s3 =	simm.s32 $0x108;
	s8 =	sld [smem:$0x3FB4]  }
0x2e: {  	s3 =	simm.s32 @!p0 $0x1082;
	s9 =	sld [smem:$0x3FB5]  }
0x2f: {  	lr =	sadd.s32 s0, s3;
	s0 =	sld [smem:$0x3FAC]  }
0x30: {  	s3 =	sld [smem:$0x3FAF]  }
0x31: {  	[smem:$0x3FB8] =	sst s10  }
0x32: {  	s10 =	sld [smem:$0x3FB6];
	_ =	sdelay $0x3  }
0x33: {  	p0 =	seq.s32 s10, $0x1;
	s10 =	sld [smem:$0x3FB8];
	_ =	sdelay $0x3  }
0x34: {  	[smem:$0x3FB8] =	sst s10  }
0x35: {  	s10 =	sld [smem:$0x3FB7];
	_ =	sdelay $0x3  }
0x36: {  	p1 =	seq.s32 s10, $0x1;
	s10 =	sld [smem:$0x3FB8];
	_ =	sdelay $0x3  }
0x37: {  	[smem:$0x3FB8] =	sst s10  }
0x38: {  	s10 =	sld [smem:$0x3FB9]  }
0x39: {  	_ = 	snop;
	(pc) =	sbr.ind lr, $3  }
0x3a: {  	_ = 	snop  }
0x3b: {  	_ = 	snop  }
0x3c: {  	p2 =	seq.s32 s10, $0x1;
	s10 =	sld [smem:$0x3FB8]  }
0x3d: {  	_ =	shalt  }
0x3e: {  	_ =	shalt  }
0x3f: {  	_ =	shalt  }
0x40: {  	_ =	shalt  }
0x41: {  	_ =	shalt  }
0x42: {  	_ =	shalt  }
0x43: {  	_ =	shalt  }
0x44: {  	_ =	shalt  }
0x45: {  	_ =	shalt  }
0x46: {  	_ =	shalt  }
0x47: {  	_ =	shalt  }
0x48: {  	_ =	shalt  }
0x49: {  	_ =	shalt  }
0x4a: {  	_ =	shalt  }
0x4b: {  	_ =	shalt  }
0x4c: {  	_ =	shalt  }
0x4d: {  	_ =	shalt  }
0x4e: {  	_ =	shalt  }
0x4f: {  	_ =	shalt  }
0x50: {  	_ =	shalt  }
0x51: {  	_ =	shalt  }
0x52: {  	_ =	shalt  }
0x53: {  	_ =	shalt  }
0x54: {  	_ =	shalt  }
0x55: {  	_ =	shalt  }
0x56: {  	_ =	shalt  }
0x57: {  	_ =	shalt  }
0x58: {  	_ =	shalt  }
0x59: {  	_ =	shalt  }
0x5a: {  	_ =	shalt  }
0x5b: {  	_ =	shalt  }
0x5c: {  	_ =	shalt  }
0x5d: {  	_ =	shalt  }
0x5e: {  	_ =	shalt  }
0x5f: {  	_ =	shalt  }
0x60: {  	_ =	shalt  }
0x61: {  	_ =	shalt  }
0x62: {  	_ =	shalt  }
0x63: {  	_ =	shalt  }
0x64: {  	_ =	shalt  }
0x65: {  	_ =	shalt  }
0x66: {  	_ =	shalt  }
0x67: {  	_ =	shalt  }
0x68: {  	_ =	shalt  }
0x69: {  	_ =	shalt  }
0x6a: {  	_ =	shalt  }
0x6b: {  	_ =	shalt  }
0x6c: {  	_ =	shalt  }
0x6d: {  	_ =	shalt  }
0x6e: {  	_ =	shalt  }
0x6f: {  	_ =	shalt  }
0x70: {  	_ =	shalt  }
0x71: {  	_ =	shalt  }
0x72: {  	_ =	shalt  }
0x73: {  	_ =	shalt  }
0x74: {  	_ =	shalt  }
0x75: {  	_ =	shalt  }
0x76: {  	_ =	shalt  }
0x77: {  	_ =	shalt  }
0x78: {  	_ =	shalt  }
0x79: {  	_ =	shalt  }
0x7a: {  	_ =	shalt  }
0x7b: {  	_ =	shalt  }
0x7c: {  	_ =	shalt  }
0x7d: {  	_ =	shalt  }
0x7e: {  	_ =	shalt  }
0x7f: {  	_ =	shalt  }
0x80: {  	_ =	shalt  }
0x81: {  	_ =	shalt  }
0x82: {  	_ =	shalt  }
0x83: {  	_ =	shalt  }
0x84: {  	_ =	shalt  }
0x85: {  	_ =	shalt  }
0x86: {  	_ =	shalt  }
0x87: {  	_ =	shalt  }
.Lfunc_end0:
.L_simem_size_0:
called_computation_lowered:
.L_overlay_start_0:
0x88: {  	s2 =	sld [smem:$0x3FD9]  }
0x89: {  	s3 =	sld [smem:$0x3FFE];
	_ =	sdelay $0x1  }
0x8a: {  	s1 =	srdreg.scid  }
0x8b: {  	s0 =	sand.u32 $0x1, s1  }
0x8c: {  	s16 =	sshll.u32 s0, $0xA;
	s2 =	sadd.s32 s3, s2  }
0x8d: {  	s2 =	sadd.s32 s2, s16  }
0x8e: {  	[smem:$0x3FC4] =	sst s2  }
0x8f: {  	_ = 	snop  }
0x90: {  	(tm) =	ssettm $0x1  }
0x91: {  	s17 =	sld [smem:$0x3FFB];
	_ =	sdelay $0x3  }
0x92: {  	_ =	strace s17  }
0x93: {  	s2 =	sld [smem:$0x3FFC];
	_ =	sdelay $0x3  }
0x94: {  	_ =	strace s2  }
0x95: {  	s2 =	sld [smem:$0x3FFD];
	_ =	sdelay $0x3  }
0x96: {  	_ =	strace s2  }
0x97: {  	_ =	strace $0x8FFFFFFF  }
0x98: {  	s18 =	sld [smem:$0x3FDB];
	_ =	sdelay $0x1  }
0x99: {  	s19 =	simm.s32 $_scs_section_size  }
0x9a: {  	s4 =	simm.s32 $_size__tile_overlayer_lowered;
	s5 =	simm.s32 $_tile_overlayer_lowered  }
0x9b: {  	s22 =	simm.s32 $0x1BFF;
	s21 =	sshll.u32 s5, $0x1;
	s2 =	sadd.s32 s19, s18  }
0x9c: {  	s6 =	simm.s32 $0x0;
	s20 =	sshll.u32 s4, $0x1;
	s4 =	sadd.s32 s21, s2  }
0x9d: {  	[timem:s6], [sflag:s22] =	dma.local [hbm:s4], s20  }
0x9e: {  	_ =	swait.ge [sflag:s22], s20  }
0x9f: {  	s3 =	ssub.s32 $0x0, s20;
	[sflag:s22] =	ssyncset.done $0x0  }
0xa0: {  	[sflag:s22] =	ssyncadd.s32 s3;
	_ =	sdelay $0x1  }
0xa1: {  	s23 =	simm.s32 $0x1B8B  }
0xa2: {  	_ =	swait.ge [sflag:s23], $0x1  }
0xa3: {  	[sflag:s23] =	ssyncset.done $0x0  }
0xa4: {  	s25 =	simm.s32 $0x1B8E;
	s24 =	sld [smem:$0x3FFE];
	[sflag:s23] =	ssyncadd.s32 $0xFFFFFFFF  }
0xa5: {  	s26 =	simm.s32 $execute0_lowered;
	[smem:$0x3FD2] =	sst s25  }
0xa6: {  	s4 =	sshll.u32 s26, $0x1;
	_ =	strace $0x80000046;
	[dreg:$0x1] =	wrdreg $0xFFFFFFFF  }
0xa7: {  	s28 =	simm.s32 $_size_execute0_lowered;
	s2 =	sadd.s32 s2, s4;
	[dreg:$0x0] =	wrdreg $0x0  }
0xa8: {  	s4 =	sshll.u32 s28, $0x1;
	[dreg:$0x2] =	wrdreg s2  }
0xa9: {  	[dreg:$0x3] =	wrdreg s4  }
0xaa: {  	[dreg:$0x4] =	wrdreg $0xC0  }
0xab: {  	_ =	task [dreg:s6], $0x5FFFF  }
0xac: {  	[dreg:$0x1] =	wrdreg $0xFFFFFFFF  }
0xad: {  	[dreg:$0x0] =	wrdreg $0x60  }
0xae: {  	[dreg:$0x2] =	wrdreg s24  }
0xaf: {  	[dreg:$0x3] =	wrdreg $0x4800  }
0xb0: {  	[dreg:$0x4] =	wrdreg $0x9  }
0xb1: {  	_ =	task.clear_ibuf [dreg:s6], $0x5FFFF;
	_ =	strace $0x90000046  }
0xb2: {  	s29 =	simm.s32 $0x9;
	_ =	strace $0x80000048  }
0xb3: {  	_ =	swait.ge [sflag:s29], $0x1  }
0xb4: {  	[sflag:s29] =	ssyncadd.s32 $0xFFFFFFFF  }
0xb5: {  	_ =	strace $0x90000048  }
0xb6: {  	_ =	sfence  }
0xb7: {  	s30 =	sld [smem:$0x0];
	_ =	sdelay $0x2  }
0xb8: {  	s31 =	sshll.u32 s1, $0xD;
	s1 =	sshrl.u32 s1, $0x2  }
0xb9: {  	s3 =	sand.u32 $0x4000, s31;
	s1 =	sadd.s32 s1, s30  }
0xba: {  	s0 =	sor.u32 s3, s0;
	s1 =	sshll.u32 s1, $0x11  }
0xbb: {  	s0 =	sor.u32 s1, s0  }
0xbc: {  	s0 =	sadd.s32 $0x8F2B, s0  }
0xbd: {  	[sflag:s0] =	ssyncadd.remote.s32 $0x1  }
0xbe: {  	_ =	sfence.sel $0xFFFF  }
0xbf: {  	[dreg:$0x0] =	wrdreg $0xFFFFFFFF;
	(pc) =	sbr.abs _section_cstart, $3  }
0xc0: {  	[dreg:$0x1] =	wrdreg $0xFFFFFFFF  }
0xc1: {  	_ =	task.clear_ibuf [dreg:s6], $0x2FFFF;
	_ =	strace $0x9FFFFFFF  }
0xc2: {  	(tm) =	ssettm $0x7FFFFFFF  }
0xc3: {  	_ =	shalt  }
tec
execute0_lowered:
.L_overlay_start_1:
0x0: {  	(tag) =	ssettag $0x1  }
0x1: {  	s4 =	rddreg [dreg:$0x0]  }
0x2: {  	s2 =	rddreg [dreg:$0x1]  }
0x3: {  	s0 =	rddreg [dreg:$0x2]  }
0x4: {  	s3 =	simm.s32 $0x0;
	s5 =	srdreg.scid;
	s1 =	stileid.u32  }
0x5: {  	s13 =	simm.s32 $0x10;
	s14 =	simm.s32 $0x180;
	s17 =	simm.s32 $0x20  }
0x6: {  	s18 =	simm.s32 $0x0;
	[smem:$0x7FF] =	sst s3;
	s6 =	smul.u32 $0x500, s1  }
0x7: {  	s5 =	sand.u32 $0x1, s5;
	s8 =	sshll.u32 s1, $0x1;
	s26 =	smul.u32 $0xA00, s1  }
0x8: {  	s9 =	sadd.s32 $0x1400, s4;
	s10 =	smul.u32 $0x4E20, s1;
	s15 =	sshll.u32 s1, $0x6  }
0x9: {  	_ =	strace $0x80000047;
	s7 =	sshll.u32 s5, $0x7;
	s25 =	sor.u32 s5, s8  }
0xa: {  	s28 =	ssub.s32 $0x2, s5;
	s12 =	smul.u32 $0x2710, s5;
	s15 =	sor.u32 $0x1C01, s15  }
0xb: {  	s6 =	sor.u32 s7, s6;
	s7 =	smul.u32 $0x2710, s25;
	s11 =	sshrl.u32 s28, $0x1  }
0xc: {  	s29 =	sshrl.u32 s26, $0x2;
	s6 =	sshrl.u32 s6, $0x3;
	s11 =	ssub.s32 s28, s11  }
0xd: {  	s31 =	sadd.s32 s12, s10;
	s10 =	simm.s32 $0x1;
	s12 =	simm.s32 $0x100  }
0xe: {  	s6 =	sadd.s32 s6, s4;
	s7 =	sshrl.u32 s7, $0x3;
	s4 =	sadd.s32 s29, s2  }
0xf: {  	s8 =	sshrl.u32 s31, $0x3;
	s30 =	sadd.s32 s9, s7;
	s6 =	sadd.s32 $0xB200, s6  }
0x10: {  	s7 =	smax.u32 s11, $0x1;
	s8 =	sadd.s32 s8, s9;
	s9 =	simm.s32 $0x200  }
0x11: {  	v0 =	vimm.f32 $1.000000000e+00;
	v1 =	vimm.f32 $0.0e+00;
	s11 =	simm.s32 $0x80;
	s16 =	sshrl.u32 s4, $0x3;
	s5 =	sadd.s32 $0x4E0, s30  }
.LBB2_1:
0x12: {  	[tilespmem:$0x80] =	vst v0  }
0x13: {  	[tilespmem:$0x90] =	vst v0  }
0x14: {  	[tilespmem:$0xA0] =	vst v0  }
0x15: {  	[tilespmem:$0xB0] =	vst v0  }
0x16: {  	[tilespmem:$0xC0] =	vst v0  }
0x17: {  	[tilespmem:$0xD0] =	vst v0  }
0x18: {  	[tilespmem:$0xE0] =	vst v0  }
0x19: {  	[tilespmem:$0xF0] =	vst v0  }
0x1a: {  	[tilespmem:$0x180] =	vst v0  }
0x1b: {  	[tilespmem:$0x200] =	vst v1  }
0x1c: {  	[tilespmem:$0x210] =	vst v1  }
0x1d: {  	[tilespmem:$0x220] =	vst v1  }
0x1e: {  	[tilespmem:$0x230] =	vst v1  }
0x1f: {  	[tilespmem:$0x240] =	vst v1  }
0x20: {  	[tilespmem:$0x250] =	vst v1  }
0x21: {  	[tilespmem:$0x260] =	vst v1  }
0x22: {  	[tilespmem:$0x270] =	vst v1  }
0x23: {  	[tilespmem:$0x280] =	vst v1  }
0x24: {  	[tilespmem:$0x290] =	vst v1  }
0x25: {  	[tilespmem:$0x2A0] =	vst v1  }
0x26: {  	[tilespmem:$0x2B0] =	vst v1  }
0x27: {  	[tilespmem:$0x2C0] =	vst v1  }
0x28: {  	[tilespmem:$0x2D0] =	vst v1  }
0x29: {  	[tilespmem:$0x2E0] =	vst v1  }
0x2a: {  	[tilespmem:$0x2F0] =	vst v1  }
0x2b: {  	[tilespmem:$0x300] =	vst v1  }
0x2c: {  	[tilespmem:$0x310] =	vst v1  }
0x2d: {  	[tilespmem:$0x320] =	vst v1  }
0x2e: {  	[tilespmem:$0x330] =	vst v1  }
0x2f: {  	[tilespmem:$0x340] =	vst v1  }
0x30: {  	[tilespmem:$0x350] =	vst v1  }
0x31: {  	[tilespmem:$0x360] =	vst v1  }
0x32: {  	[tilespmem:$0x370] =	vst v1  }
0x33: {  	[tilespmem:$0x380] =	vst v1  }
0x34: {  	[tilespmem:$0x390] =	vst v1  }
0x35: {  	[tilespmem:$0x3A0] =	vst v1  }
0x36: {  	[tilespmem:$0x3B0] =	vst v1  }
0x37: {  	[tilespmem:$0x3C0] =	vst v1  }
0x38: {  	[tilespmem:$0x3D0] =	vst v1  }
0x39: {  	[tilespmem:$0x3E0] =	vst v1  }
0x3a: {  	[tilespmem:$0x3F0] =	vst v1  }
0x3b: {  	[tilespmem:$0x400] =	vst v1  }
0x3c: {  	[tilespmem:$0x410] =	vst v1  }
0x3d: {  	[tilespmem:$0x420] =	vst v1  }
0x3e: {  	[tilespmem:$0x430] =	vst v1  }
0x3f: {  	[tilespmem:$0x440] =	vst v1  }
0x40: {  	[tilespmem:$0x450] =	vst v1  }
0x41: {  	[tilespmem:$0x460] =	vst v1  }
0x42: {  	[tilespmem:$0x470] =	vst v1  }
0x43: {  	[spmem:s4] =	stream.linear.scatter [tilespmem:s9], [sflag:$0x1], $0x280, $0x38;
	[tilespmem:$0x700] =	vst v63  }
0x44: {  	_ =	swait.ge [sflag:s10], $0x280  }
0x45: {  	[sflag:s10] =	ssyncset.done $0x0  }
0x46: {  	[sflag:s10] =	ssyncadd.s32 $0xFFFFFD80  }
0x47: {  	s19 =	sadd.s32 $0x0, s8;
	[bflag:$0x0] =	sbarrier.arrive $0xFFFF  }
0x48: {  	[tilespmem:s3], [sflag:$0x1] =	stream.linear.gather [hbm4b:s19+s3], $0x80, $0x38;
	[tilespmem:$0x700] =	vst v63  }
0x49: {  	_ =	swait.ge [sflag:s10], $0x80  }
0x4a: {  	[sflag:s10] =	ssyncset.done $0x0  }
0x4b: {  	[sflag:s10] =	ssyncadd.s32 $0xFFFFFF80  }
0x4c: {  	[spmem:s2] =	stream.indirect.scatter.add.f32 [tilespmem:s11], [sflag:$0x1], $0x1, s3, s11, $0xb8;
	[tilespmem:$0x700] =	vst v63  }
0x4d: {  	_ =	swait.ge [sflag:s10], $0x80  }
0x4e: {  	s20 =	simm.s32 $0x20;
	s19 =	simm.s32 $0x10;
	[sflag:s10] =	ssyncset.done $0x0  }
.LBB2_2:
0x4f: {  	s21 =	sadd.s32 s19, s8  }
0x50: {  	[sflag:s10] =	ssyncadd.s32 $0xFFFFFF80;
	s19 =	smov.u32 s20;
	s22 =	sadd.s32 $0x10, s20  }
0x51: {  	[tilespmem:s3], [sflag:$0x1] =	stream.linear.gather [hbm4b:s21+s3], $0x80, $0x38;
	[tilespmem:$0x700] =	vst v63  }
0x52: {  	p0 =	sne.s32 s20, $0x4D0;
	_ =	swait.ge [sflag:s10], $0x80  }
.Ltmp0:
0x53: {  	[sflag:s10] =	ssyncset.done $0x0;
	(pc) =	sbr.rel @p0 .LBB2_2-.Ltmp0, $4  }
0x54: {  	[sflag:s10] =	ssyncadd.s32 $0xFFFFFF80  }
0x55: {  	[spmem:s2] =	stream.indirect.scatter.add.f32 [tilespmem:s11], [sflag:$0x1], $0x1, s3, s11, $0xb8;
	[tilespmem:$0x700] =	vst v63  }
0x56: {  	_ =	swait.ge [sflag:s10], $0x80  }
0x57: {  	s20 =	smov.u32 s22;
	[sflag:s10] =	ssyncset.done $0x0  }
0x58: {  	s19 =	sadd.s32 s19, s8;
	[sflag:s10] =	ssyncadd.s32 $0xFFFFFF80  }
0x59: {  	[tilespmem:s3], [sflag:$0x1] =	stream.linear.gather [hbm4b:s19+s3], $0x80, $0x38;
	[tilespmem:$0x700] =	vst v63  }
0x5a: {  	_ =	swait.ge [sflag:s10], $0x80  }
0x5b: {  	[sflag:s10] =	ssyncset.done $0x0  }
0x5c: {  	[sflag:s10] =	ssyncadd.s32 $0xFFFFFF80  }
0x5d: {  	[spmem:s2] =	stream.indirect.scatter.add.f32 [tilespmem:s11], [sflag:$0x1], $0x1, s3, s11, $0xb8;
	[tilespmem:$0x700] =	vst v63  }
0x5e: {  	_ =	swait.ge [sflag:s10], $0x80  }
0x5f: {  	[sflag:s10] =	ssyncset.done $0x0  }
0x60: {  	[sflag:s10] =	ssyncadd.s32 $0xFFFFFF80  }
0x61: {  	[tilespmem:s12], [sflag:$0x1] =	stream.linear.gather [hbm4b:s5+s3], $0x10, $0x38;
	[tilespmem:$0x700] =	vst v63  }
0x62: {  	_ =	swait.ge [sflag:s10], $0x10  }
0x63: {  	[sflag:s10] =	ssyncset.done $0x0  }
0x64: {  	[sflag:s10] =	ssyncadd.s32 $0xFFFFFFF0  }
0x65: {  	[spmem:s2] =	stream.indirect.scatter.add.f32 [tilespmem:s14], [sflag:$0x1], $0x1, s12, s13, $0xb8;
	[tilespmem:$0x700] =	vst v63  }
0x66: {  	_ =	swait.ge [sflag:s10], $0x10  }
0x67: {  	s18 =	sadd.s32 $0x1, s18;
	[sflag:s10] =	ssyncset.done $0x0  }
0x68: {  	p0 =	sne.s32 s18, s7;
	[sflag:s10] =	ssyncadd.s32 $0xFFFFFFF0  }
.Ltmp1:
0x69: {  	[bflag:$0x0] =	sbarrier.arrive $0xFFFF;
	(pc) =	sbr.rel @p0 .LBB2_1-.Ltmp1, $4  }
0x6a: {  	[hbm:s6@s17], [sflag:s15] =	dma.strided [spmem:s16@s13], $0x50, s10, $0x10   }
0x6b: {  	_ =	swait.ge [sflag:s10], $0x50  }
0x6c: {  	[sflag:s10] =	ssyncset.done $0x0  }
0x6d: {  	[sflag:s10] =	ssyncadd.s32 $0xFFFFFFB0  }
0x6e: {  	_ =	sfence.sel $0x180000  }
0x6f: {  	[bflag:$0x0] =	sbarrier.arrive $0xFFFF  }
0x70: {  	p0 =	sne.s32 s1, $0x0;
	_ =	strace $0x90000047  }
0x71: {  	s0 =	sadd.s32 @!p0 $0x100000, s0;
	[bflag:$0x2] =	sbarrier.arrive $0xFFFF  }
0x72: {  	[sflag:s0] =	ssyncadd.tile.s32 @!p0 $0x1;
	_ =	shalt  }
.Lfunc_end2:
_tile_overlayer_lowered:
.L_overlay_start_2:
0x73: {  	(tag) =	ssettag $0x2  }
0x74: {  	s0 =	rddreg [dreg:$0x0];
	s2 =	stileid.u32  }
0x75: {  	s1 =	rddreg [dreg:$0x1];
	p0 =	sne.s32 s2, $0x0  }
0x76: {  	s3 =	rddreg [dreg:$0x2];
	[bflag:$0x3] =	sbarrier.arrive $0xFFFF;
	s2 =	simm.s32 @!p0 $0x1C01  }
0x77: {  	[timem:s3], [sflag:s2] =	dma.local @!p0 [hbm:s0], s1  }
0x78: {  	s0 =	simm.s32 @!p0 $0x1  }
0x79: {  	_ =	swait.ge @!p0 [sflag:s0], s1  }
0x7a: {  	s1 =	ssub.s32 @!p0 $0x0, s1;
	[sflag:s0] =	ssyncset.done @!p0 $0x0  }
0x7b: {  	[sflag:s0] =	ssyncadd.s32 @!p0 s1  }
0x7c: {  	[bflag:$0x3] =	sbarrier.arrive $0xFFFF  }
0x7d: {  	_ =	shalt  }

// kernel: kernel.9.cloned.1.call-start
scs
__scs_entry_jumppad:
0x0: {  	(pc) =	sbr.rel $0x88, $3  }
0x1: {  	(tag) =	ssettag $0x0;
	lr =	simm.s32 $0x1  }
0x2: {  	[smem:$0x3F9D] =	sst lr;
	_ =	strace $0xD0000000  }
0x3: {  	_ = 	snop  }
0x4: {  	_ = 	snop  }
0x5: {  	_ = 	snop  }
0x6: {  	_ = 	snop  }
0x7: {  	_ = 	snop  }
__scs_overlays_trampoline_lowered:
0x8: {  	[smem:$0x3FAC] =	sst s0  }
0x9: {  	[smem:$0x3FAD] =	sst s1  }
0xa: {  	[smem:$0x3FAE] =	sst s2  }
0xb: {  	[smem:$0x3FAF] =	sst s3  }
0xc: {  	[smem:$0x3FB0] =	sst s4  }
0xd: {  	[smem:$0x3FB1] =	sst s5  }
0xe: {  	[smem:$0x3FB2] =	sst s6  }
0xf: {  	[smem:$0x3FB3] =	sst s7  }
0x10: {  	[smem:$0x3FB4] =	sst s8  }
0x11: {  	[smem:$0x3FB5] =	sst s9;
	s0 =	simm.s32 @!p0 $0x0  }
0x12: {  	s1 =	sld [smem:$0x3F9B];
	s0 =	simm.s32 @p0 $0x1  }
0x13: {  	[smem:$0x3FB6] =	sst s0;
	s0 =	simm.s32 @!p1 $0x0  }
0x14: {  	s2 =	sld [smem:$0x3F9A];
	s0 =	simm.s32 @p1 $0x1  }
0x15: {  	[smem:$0x3FB7] =	sst s0;
	s0 =	simm.s32 @!p2 $0x0  }
0x16: {  	s3 =	sld [smem:$0x3FDB];
	s0 =	simm.s32 @p2 $0x1  }
0x17: {  	s4 =	simm.s32 $0x1BF5;
	[smem:$0x3FB9] =	sst s0  }
0x18: {  	s0 =	sld [smem:$0x3F9C];
	_ =	swait.ge [sflag:s4], $0x0  }
0x19: {  	s7 =	sld [smem:$0x3F9D]  }
0x1a: {  	s8 =	sadd.s32 $0xFFFFE003, lr  }
0x1b: {  	s9 =	sadd.s32 $0xFFFFFEF7, lr;
	s5 =	simm.s32 $0xFFFFFFFF;
	p2 =	slt.u32 s8, $0xFFFFF086  }
0x1c: {  	p1 =	slt.u32 s9, $0xF7A;
	s5 =	simm.s32 @!p2 $0x0  }
0x1d: {  	s5 =	simm.s32 @p1 $0x1;
	p0 =	seq.s32 s7, s2  }
0x1e: {  	s7 =	smul.u32 @!p0 $0xF7A, s2;
	p2 =	seq.s32 @!p0 s5, $0x0  }
0x1f: {  	s9 =	smul.u32 $0xF7A, s1;
	s8 =	simm.s32 @!p0 $0x1BF5;
	p2 =	por !p2, p0  }
0x20: {  	[sflag:s8] =	ssyncset.s32 @!p0 $0xFFFFF086;
	s6 =	sadd.s32 @!p0 s3, s7;
	s7 =	simm.s32 @!p0 $0x108  }
0x21: {  	s3 =	sadd.s32 s3, s9;
	s6 =	sadd.s32 @!p0 $0x88, s6;
	s7 =	simm.s32 @p2 $0x1082  }
0x22: {  	[simem:s7], [sflag:s8] =	dma.local @!p0 [hbm:s6], $0xF7A  }
0x23: {  	s9 =	sor.u32 $0xD0000000, s2;
	s6 =	simm.s32 $0x108;
	_ =	swait.ge @!p0 [sflag:s8], $0x0  }
0x24: {  	s3 =	sadd.s32 $0x88, s3;
	s6 =	simm.s32 @!p1 $0x1082;
	[sflag:s4] =	ssyncset.s32 $0xFFFFF086  }
0x25: {  	[simem:s6], [sflag:s4] =	dma.local [hbm:s3], $0xF7A  }
0x26: {  	[smem:$0x3F9D] =	sst s1;
	(tag) =	ssettag s2;
	_ =	strace s9  }
0x27: {  	s1 =	sld [smem:$0x3FAD]  }
0x28: {  	s2 =	sld [smem:$0x3FAE]  }
0x29: {  	s4 =	sld [smem:$0x3FB0]  }
0x2a: {  	p0 =	seq.s32 s5, $0x0;
	s5 =	sld [smem:$0x3FB1]  }
0x2b: {  	s6 =	sld [smem:$0x3FB2]  }
0x2c: {  	s7 =	sld [smem:$0x3FB3]  }
0x2d: {  	s3 =	simm.s32 $0x108;
	s8 =	sld [smem:$0x3FB4]  }
0x2e: {  	s3 =	simm.s32 @!p0 $0x1082;
	s9 =	sld [smem:$0x3FB5]  }
0x2f: {  	lr =	sadd.s32 s0, s3;
	s0 =	sld [smem:$0x3FAC]  }
0x30: {  	s3 =	sld [smem:$0x3FAF]  }
0x31: {  	[smem:$0x3FB8] =	sst s10  }
0x32: {  	s10 =	sld [smem:$0x3FB6];
	_ =	sdelay $0x3  }
0x33: {  	p0 =	seq.s32 s10, $0x1;
	s10 =	sld [smem:$0x3FB8];
	_ =	sdelay $0x3  }
0x34: {  	[smem:$0x3FB8] =	sst s10  }
0x35: {  	s10 =	sld [smem:$0x3FB7];
	_ =	sdelay $0x3  }
0x36: {  	p1 =	seq.s32 s10, $0x1;
	s10 =	sld [smem:$0x3FB8];
	_ =	sdelay $0x3  }
0x37: {  	[smem:$0x3FB8] =	sst s10  }
0x38: {  	s10 =	sld [smem:$0x3FB9]  }
0x39: {  	_ = 	snop;
	(pc) =	sbr.ind lr, $3  }
0x3a: {  	_ = 	snop  }
0x3b: {  	_ = 	snop  }
0x3c: {  	p2 =	seq.s32 s10, $0x1;
	s10 =	sld [smem:$0x3FB8]  }
0x3d: {  	_ =	shalt  }
0x3e: {  	_ =	shalt  }
0x3f: {  	_ =	shalt  }
0x40: {  	_ =	shalt  }
0x41: {  	_ =	shalt  }
0x42: {  	_ =	shalt  }
0x43: {  	_ =	shalt  }
0x44: {  	_ =	shalt  }
0x45: {  	_ =	shalt  }
0x46: {  	_ =	shalt  }
0x47: {  	_ =	shalt  }
0x48: {  	_ =	shalt  }
0x49: {  	_ =	shalt  }
0x4a: {  	_ =	shalt  }
0x4b: {  	_ =	shalt  }
0x4c: {  	_ =	shalt  }
0x4d: {  	_ =	shalt  }
0x4e: {  	_ =	shalt  }
0x4f: {  	_ =	shalt  }
0x50: {  	_ =	shalt  }
0x51: {  	_ =	shalt  }
0x52: {  	_ =	shalt  }
0x53: {  	_ =	shalt  }
0x54: {  	_ =	shalt  }
0x55: {  	_ =	shalt  }
0x56: {  	_ =	shalt  }
0x57: {  	_ =	shalt  }
0x58: {  	_ =	shalt  }
0x59: {  	_ =	shalt  }
0x5a: {  	_ =	shalt  }
0x5b: {  	_ =	shalt  }
0x5c: {  	_ =	shalt  }
0x5d: {  	_ =	shalt  }
0x5e: {  	_ =	shalt  }
0x5f: {  	_ =	shalt  }
0x60: {  	_ =	shalt  }
0x61: {  	_ =	shalt  }
0x62: {  	_ =	shalt  }
0x63: {  	_ =	shalt  }
0x64: {  	_ =	shalt  }
0x65: {  	_ =	shalt  }
0x66: {  	_ =	shalt  }
0x67: {  	_ =	shalt  }
0x68: {  	_ =	shalt  }
0x69: {  	_ =	shalt  }
0x6a: {  	_ =	shalt  }
0x6b: {  	_ =	shalt  }
0x6c: {  	_ =	shalt  }
0x6d: {  	_ =	shalt  }
0x6e: {  	_ =	shalt  }
0x6f: {  	_ =	shalt  }
0x70: {  	_ =	shalt  }
0x71: {  	_ =	shalt  }
0x72: {  	_ =	shalt  }
0x73: {  	_ =	shalt  }
0x74: {  	_ =	shalt  }
0x75: {  	_ =	shalt  }
0x76: {  	_ =	shalt  }
0x77: {  	_ =	shalt  }
0x78: {  	_ =	shalt  }
0x79: {  	_ =	shalt  }
0x7a: {  	_ =	shalt  }
0x7b: {  	_ =	shalt  }
0x7c: {  	_ =	shalt  }
0x7d: {  	_ =	shalt  }
0x7e: {  	_ =	shalt  }
0x7f: {  	_ =	shalt  }
0x80: {  	_ =	shalt  }
0x81: {  	_ =	shalt  }
0x82: {  	_ =	shalt  }
0x83: {  	_ =	shalt  }
0x84: {  	_ =	shalt  }
0x85: {  	_ =	shalt  }
0x86: {  	_ =	shalt  }
0x87: {  	_ =	shalt  }
.Lfunc_end0:
.L_simem_size_0:
called_computation.1_lowered:
.L_overlay_start_0:
0x88: {  	s2 =	sld [smem:$0x3FD9]  }
0x89: {  	s3 =	sld [smem:$0x3FFE];
	_ =	sdelay $0x1  }
0x8a: {  	s1 =	srdreg.scid  }
0x8b: {  	s0 =	sand.u32 $0x1, s1  }
0x8c: {  	s17 =	sshll.u32 s0, $0xA;
	s2 =	sadd.s32 s3, s2  }
0x8d: {  	s2 =	sadd.s32 s2, s17  }
0x8e: {  	[smem:$0x3FC4] =	sst s2  }
0x8f: {  	_ = 	snop  }
0x90: {  	s2 =	sld [smem:$0x3FD0];
	(tm) =	ssettm $0x1  }
0x91: {  	s18 =	sld [smem:$0x3FFB];
	_ =	sdelay $0x3  }
0x92: {  	_ =	strace s18  }
0x93: {  	s3 =	sld [smem:$0x3FFC];
	_ =	sdelay $0x3  }
0x94: {  	_ =	strace s3  }
0x95: {  	s3 =	sld [smem:$0x3FFD];
	_ =	sdelay $0x3  }
0x96: {  	_ =	strace s3  }
0x97: {  	_ =	strace $0x8FFFFFFF  }
0x98: {  	s19 =	sld [smem:$0x3FDB];
	_ =	sdelay $0x1  }
0x99: {  	s4 =	simm.s32 $_scs_section_size  }
0x9a: {  	s5 =	simm.s32 $_size__tile_overlayer_lowered;
	s6 =	simm.s32 $_tile_overlayer_lowered  }
0x9b: {  	s22 =	simm.s32 $0x1BFF;
	s21 =	sshll.u32 s6, $0x1;
	s3 =	sadd.s32 s4, s19  }
0x9c: {  	s7 =	simm.s32 $0x0;
	s20 =	sshll.u32 s5, $0x1;
	s5 =	sadd.s32 s21, s3  }
0x9d: {  	[timem:s7], [sflag:s22] =	dma.local [hbm:s5], s20  }
0x9e: {  	_ =	swait.ge [sflag:s22], s20  }
0x9f: {  	s4 =	ssub.s32 $0x0, s20;
	[sflag:s22] =	ssyncset.done $0x0  }
0xa0: {  	[sflag:s22] =	ssyncadd.s32 s4;
	_ =	sdelay $0x1  }
0xa1: {  	s23 =	simm.s32 $0x1B8B  }
0xa2: {  	_ =	swait.ge [sflag:s23], $0x1  }
0xa3: {  	[sflag:s23] =	ssyncset.done $0x0  }
0xa4: {  	s25 =	simm.s32 $0x1B8E;
	s24 =	sld [smem:$0x3FFE];
	[sflag:s23] =	ssyncadd.s32 $0xFFFFFFFF  }
0xa5: {  	s26 =	simm.s32 $execute0_lowered;
	[smem:$0x3FD2] =	sst s25  }
0xa6: {  	s5 =	sshll.u32 s26, $0x1;
	_ =	strace $0x80000049;
	[dreg:$0x1] =	wrdreg $0xFFFFFFFF  }
0xa7: {  	s28 =	simm.s32 $_size_execute0_lowered;
	s3 =	sadd.s32 s3, s5;
	[dreg:$0x0] =	wrdreg $0x0  }
0xa8: {  	s5 =	sshll.u32 s28, $0x1;
	[dreg:$0x2] =	wrdreg s3  }
0xa9: {  	[dreg:$0x3] =	wrdreg s5  }
0xaa: {  	[dreg:$0x4] =	wrdreg $0xC0  }
0xab: {  	_ =	task [dreg:s7], $0x5FFFF  }
0xac: {  	[dreg:$0x1] =	wrdreg $0xFFFFFFFF  }
0xad: {  	[dreg:$0x0] =	wrdreg $0x60  }
0xae: {  	[dreg:$0x2] =	wrdreg s24  }
0xaf: {  	[dreg:$0x3] =	wrdreg s2  }
0xb0: {  	[dreg:$0x4] =	wrdreg $0x6A000  }
0xb1: {  	[dreg:$0x5] =	wrdreg $0x9  }
0xb2: {  	_ =	task.clear_ibuf [dreg:s7], $0x6FFFF;
	_ =	strace $0x90000049  }
0xb3: {  	s29 =	simm.s32 $0x9;
	_ =	strace $0x8000004B  }
0xb4: {  	_ =	swait.ge [sflag:s29], $0x1  }
0xb5: {  	[sflag:s29] =	ssyncadd.s32 $0xFFFFFFFF  }
0xb6: {  	_ =	strace $0x9000004B  }
0xb7: {  	_ =	sfence  }
0xb8: {  	s30 =	sld [smem:$0x0];
	_ =	sdelay $0x2  }
0xb9: {  	s31 =	sshll.u32 s1, $0xD;
	s1 =	sshrl.u32 s1, $0x2  }
0xba: {  	s3 =	sand.u32 $0x4000, s31;
	s1 =	sadd.s32 s1, s30  }
0xbb: {  	s0 =	sor.u32 s3, s0;
	s1 =	sshll.u32 s1, $0x11  }
0xbc: {  	s0 =	sor.u32 s1, s0  }
0xbd: {  	s0 =	sadd.s32 $0x8F2B, s0  }
0xbe: {  	[sflag:s0] =	ssyncadd.remote.s32 $0x1  }
0xbf: {  	_ =	sfence.sel $0xFFFF  }
0xc0: {  	[dreg:$0x0] =	wrdreg $0xFFFFFFFF;
	(pc) =	sbr.abs _section_cstart, $3  }
0xc1: {  	[dreg:$0x1] =	wrdreg $0xFFFFFFFF  }
0xc2: {  	_ =	task.clear_ibuf [dreg:s7], $0x2FFFF;
	_ =	strace $0x9FFFFFFF  }
0xc3: {  	(tm) =	ssettm $0x7FFFFFFF  }
tec
execute0_lowered:
.L_overlay_start_1:
0x0: {  	(tag) =	ssettag $0x1  }
0x1: {  	s0 =	rddreg [dreg:$0x0]  }
0x2: {  	s2 =	rddreg [dreg:$0x1]  }
0x3: {  	s1 =	rddreg [dreg:$0x2]  }
0x4: {  	s3 =	srdreg.scid;
	s11 =	stileid.u32  }
0x5: {  	s28 =	simm.s32 $0x4180;
	s29 =	simm.s32 $0x10;
	s30 =	simm.s32 $0x4200  }
0x6: {  	s31 =	simm.s32 $0x0;
	s6 =	sand.u32 $0x1, s3;
	s7 =	smul.u32 $0x14000, s11  }
0x7: {  	s3 =	simm.s32 $0x0;
	s8 =	sshll.u32 s11, $0x1;
	s9 =	smul.u32 $0x50000, s11  }
0x8: {  	s4 =	sadd.s32 $0xB200, s0;
	s19 =	sadd.s32 $0x1400, s0;
	s26 =	smul.u32 $0x4E20, s11  }
0x9: {  	s5 =	smul.u32 $0x140000, s6;
	[smem:$0x7FF] =	sst s3;
	s8 =	sor.u32 s6, s8  }
0xa: {  	s22 =	ssub.s32 $0x2, s6;
	s6 =	smul.u32 $0x2710, s6;
	_ =	strace $0x8000004A  }
0xb: {  	s21 =	smul.u32 $0x2710, s8;
	s23 =	sshrl.u32 s22, $0x1;
	s24 =	sshrl.u32 s9, $0x2  }
0xc: {  	s5 =	sadd.s32 s7, s5;
	s10 =	ssub.s32 s22, s23;
	s22 =	simm.s32 $0x2  }
0xd: {  	s23 =	simm.s32 $0x80;
	s5 =	sshrl.u32 s5, $0x3;
	s7 =	sshrl.u32 s21, $0x3  }
0xe: {  	s9 =	smax.u32 s10, $0x1;
	s21 =	simm.s32 $0x4A00;
	s0 =	sadd.s32 s5, s0  }
0xf: {  	s7 =	sadd.s32 $0x4E0, s7;
	s5 =	sadd.s32 s24, s1;
	s24 =	simm.s32 $0x100  }
0x10: {  	s25 =	sadd.s32 s2, s7;
	s7 =	sadd.s32 s19, s7;
	s0 =	sadd.s32 $0x33200, s0  }
0x11: {  	s10 =	sadd.s32 $0x2000, s5;
	s11 =	sadd.s32 $0x4000, s5;
	s12 =	sadd.s32 $0x6000, s5  }
0x12: {  	s13 =	sadd.s32 $0x8000, s5;
	s14 =	sadd.s32 $0xA000, s5;
	s15 =	sadd.s32 $0xC000, s5  }
0x13: {  	s16 =	sadd.s32 $0xE000, s5;
	s17 =	sadd.s32 $0x10000, s5;
	[dreg:$0x4] =	wrdreg s25  }
0x14: {  	s18 =	sadd.s32 $0x12000, s5;
	[dreg:$0x6] =	wrdreg s0;
	s0 =	sadd.s32 s6, s26  }
0x15: {  	[dreg:$0x5] =	wrdreg s7;
	s25 =	simm.s32 $0x1;
	s0 =	sshrl.u32 s0, $0x3  }
0x16: {  	v0 =	vimm.f32 $0.0e+00;
	s26 =	simm.s32 $0x4100;
	s19 =	sadd.s32 s0, s19;
	s20 =	sadd.s32 s0, s2  }
.LBB2_1:
0x17: {  	s0 =	sand.u32 $0x7E00, s3  }
0x18: {  	s2 =	sand.u32 $0x70, s3;
	s6 =	sshrl.u32 s0, $0x2  }
0x19: {  	s0 =	simm.s32 $0x40;
	s6 =	sor.u32 s2, s6;
	s2 =	simm.s32 $0x0  }
.LBB2_2:
0x1a: {  	p0 =	sne.s32 s0, $0x7FC0  }
0x1b: {  	[tilespmem:s6+$0x4A00] =	vst v0;
	s2 =	sadd.s32 $0x10, s2;
	s6 =	smov.u32 s0;
	s0 =	sadd.s32 $0x40, s0  }
.Ltmp0:
0x1c: {  	(pc) =	sbr.rel @p0 .LBB2_2-.Ltmp0, $4  }
0x1d: {  	_ = 	snop  }
0x1e: {  	s6 =	sand.u32 $0x7E00, s6  }
0x1f: {  	s7 =	sand.u32 $0x70, s2;
	s6 =	sshrl.u32 s6, $0x2  }
0x20: {  	s6 =	sor.u32 s7, s6  }
0x21: {  	[tilespmem:s6+$0x4A00] =	vst v0  }
0x22: {  	[spmem:s5] =	stream.linear.scatter [tilespmem:s21], [sflag:$0x2], $0x2000, $0x38;
	[tilespmem:$0x1AA00] =	vst v63  }
0x23: {  	_ =	swait.ge [sflag:s22], $0x2000  }
0x24: {  	[sflag:s22] =	ssyncset.done $0x0  }
0x25: {  	[sflag:s22] =	ssyncadd.s32 $0xFFFFE000  }
0x26: {  	[spmem:s10] =	stream.linear.scatter [tilespmem:s21], [sflag:$0x2], $0x2000, $0x38;
	[tilespmem:$0x1AA00] =	vst v63  }
0x27: {  	_ =	swait.ge [sflag:s22], $0x2000  }
0x28: {  	[sflag:s22] =	ssyncset.done $0x0  }
0x29: {  	[sflag:s22] =	ssyncadd.s32 $0xFFFFE000  }
0x2a: {  	[spmem:s11] =	stream.linear.scatter [tilespmem:s21], [sflag:$0x2], $0x2000, $0x38;
	[tilespmem:$0x1AA00] =	vst v63  }
0x2b: {  	_ =	swait.ge [sflag:s22], $0x2000  }
0x2c: {  	[sflag:s22] =	ssyncset.done $0x0  }
0x2d: {  	[sflag:s22] =	ssyncadd.s32 $0xFFFFE000  }
0x2e: {  	[spmem:s12] =	stream.linear.scatter [tilespmem:s21], [sflag:$0x2], $0x2000, $0x38;
	[tilespmem:$0x1AA00] =	vst v63  }
0x2f: {  	_ =	swait.ge [sflag:s22], $0x2000  }
0x30: {  	[sflag:s22] =	ssyncset.done $0x0  }
0x31: {  	[sflag:s22] =	ssyncadd.s32 $0xFFFFE000  }
0x32: {  	[spmem:s13] =	stream.linear.scatter [tilespmem:s21], [sflag:$0x2], $0x2000, $0x38;
	[tilespmem:$0x1AA00] =	vst v63  }
0x33: {  	_ =	swait.ge [sflag:s22], $0x2000  }
0x34: {  	[sflag:s22] =	ssyncset.done $0x0  }
0x35: {  	[sflag:s22] =	ssyncadd.s32 $0xFFFFE000  }
0x36: {  	[spmem:s14] =	stream.linear.scatter [tilespmem:s21], [sflag:$0x2], $0x2000, $0x38;
	[tilespmem:$0x1AA00] =	vst v63  }
0x37: {  	_ =	swait.ge [sflag:s22], $0x2000  }
0x38: {  	[sflag:s22] =	ssyncset.done $0x0  }
0x39: {  	[sflag:s22] =	ssyncadd.s32 $0xFFFFE000  }
0x3a: {  	[spmem:s15] =	stream.linear.scatter [tilespmem:s21], [sflag:$0x2], $0x2000, $0x38;
	[tilespmem:$0x1AA00] =	vst v63  }
0x3b: {  	_ =	swait.ge [sflag:s22], $0x2000  }
0x3c: {  	[sflag:s22] =	ssyncset.done $0x0  }
0x3d: {  	[sflag:s22] =	ssyncadd.s32 $0xFFFFE000  }
0x3e: {  	[spmem:s16] =	stream.linear.scatter [tilespmem:s21], [sflag:$0x2], $0x2000, $0x38;
	[tilespmem:$0x1AA00] =	vst v63  }
0x3f: {  	_ =	swait.ge [sflag:s22], $0x2000  }
0x40: {  	[sflag:s22] =	ssyncset.done $0x0  }
0x41: {  	[sflag:s22] =	ssyncadd.s32 $0xFFFFE000  }
0x42: {  	[spmem:s17] =	stream.linear.scatter [tilespmem:s21], [sflag:$0x2], $0x2000, $0x38;
	[tilespmem:$0x1AA00] =	vst v63  }
0x43: {  	_ =	swait.ge [sflag:s22], $0x2000  }
0x44: {  	[sflag:s22] =	ssyncset.done $0x0  }
0x45: {  	[sflag:s22] =	ssyncadd.s32 $0xFFFFE000  }
0x46: {  	[spmem:s18] =	stream.linear.scatter [tilespmem:s21], [sflag:$0x2], $0x2000, $0x38;
	[tilespmem:$0x1AA00] =	vst v63  }
0x47: {  	_ =	swait.ge [sflag:s22], $0x2000  }
0x48: {  	[sflag:s22] =	ssyncset.done $0x0  }
0x49: {  	[sflag:s22] =	ssyncadd.s32 $0xFFFFE000  }
0x4a: {  	s0 =	sadd.s32 $0x0, s20;
	[bflag:$0x0] =	sbarrier.arrive $0xFFFF  }
0x4b: {  	[tilespmem:s3], [sflag:$0x2] =	stream.linear.gather [hbm4b:s0+s3], $0x80, $0x38;
	[tilespmem:$0x1AA00] =	vst v63  }
0x4c: {  	_ =	swait.ge [sflag:s22], $0x80  }
0x4d: {  	[sflag:s22] =	ssyncset.done $0x0  }
0x4e: {  	s8 =	sadd.s32 $0x0, s19;
	[sflag:s22] =	ssyncadd.s32 $0xFFFFFF80  }
0x4f: {  	[tilespmem:s23], [sflag:$0x2] =	stream.linear.gather [hbm4b:s8+s3], $0x80, $0x38;
	[tilespmem:$0x1AA00] =	vst v63  }
0x50: {  	_ =	swait.ge [sflag:s22], $0x80  }
0x51: {  	[sflag:s22] =	ssyncset.done $0x0  }
0x52: {  	[sflag:s22] =	ssyncadd.s32 $0xFFFFFF80  }
0x53: {  	[tilespmem:s24], [sflag:$0x1] =	stream.indirect.gather [hbm4b:s4+s23], $0x80, s3, s23, $0xb8;
	[tilespmem:$0x1AA00] =	vst v63  }
0x54: {  	_ =	swait.ge [sflag:s25], $0x4000  }
0x55: {  	[sflag:s25] =	ssyncset.done $0x0  }
0x56: {  	[sflag:s25] =	ssyncadd.s32 $0xFFFFC000  }
0x57: {  	[spmem:s1] =	stream.indirect.scatter.add.f32 [tilespmem:s24], [sflag:$0x2], $0x80, s23, s23, $0xb8;
	[tilespmem:$0x1AA00] =	vst v63  }
0x58: {  	_ =	swait.ge [sflag:s22], $0x4000  }
0x59: {  	s2 =	simm.s32 $0x20;
	s0 =	simm.s32 $0x10;
	[sflag:s22] =	ssyncset.done $0x0  }
.LBB2_4:
0x5a: {  	s6 =	sadd.s32 s0, s20  }
0x5b: {  	[sflag:s22] =	ssyncadd.s32 $0xFFFFC000;
	s7 =	smov.u32 s2;
	s8 =	sadd.s32 $0x10, s2  }
0x5c: {  	[tilespmem:s3], [sflag:$0x2] =	stream.linear.gather [hbm4b:s6+s3], $0x80, $0x38;
	[tilespmem:$0x1AA00] =	vst v63  }
0x5d: {  	p0 =	sne.s32 s2, $0x4D0;
	_ =	swait.ge [sflag:s22], $0x80  }
0x5e: {  	[sflag:s22] =	ssyncset.done $0x0  }
0x5f: {  	s2 =	sadd.s32 s0, s19;
	s0 =	smov.u32 s7;
	[sflag:s22] =	ssyncadd.s32 $0xFFFFFF80  }
0x60: {  	[tilespmem:s23], [sflag:$0x2] =	stream.linear.gather [hbm4b:s2+s3], $0x80, $0x38;
	[tilespmem:$0x1AA00] =	vst v63  }
0x61: {  	_ =	swait.ge [sflag:s22], $0x80  }
0x62: {  	[sflag:s22] =	ssyncset.done $0x0  }
0x63: {  	[sflag:s22] =	ssyncadd.s32 $0xFFFFFF80  }
0x64: {  	[tilespmem:s24], [sflag:$0x1] =	stream.indirect.gather [hbm4b:s4+s23], $0x80, s3, s23, $0xb8;
	[tilespmem:$0x1AA00] =	vst v63  }
0x65: {  	_ =	swait.ge [sflag:s25], $0x4000  }
.Ltmp1:
0x66: {  	[sflag:s25] =	ssyncset.done $0x0;
	(pc) =	sbr.rel @p0 .LBB2_4-.Ltmp1, $4  }
0x67: {  	[sflag:s25] =	ssyncadd.s32 $0xFFFFC000  }
0x68: {  	[spmem:s1] =	stream.indirect.scatter.add.f32 [tilespmem:s24], [sflag:$0x2], $0x80, s23, s23, $0xb8;
	[tilespmem:$0x1AA00] =	vst v63  }
0x69: {  	_ =	swait.ge [sflag:s22], $0x4000  }
0x6a: {  	s2 =	smov.u32 s8;
	[sflag:s22] =	ssyncset.done $0x0  }
0x6b: {  	s2 =	sadd.s32 s0, s20;
	[sflag:s22] =	ssyncadd.s32 $0xFFFFC000  }
0x6c: {  	[tilespmem:s3], [sflag:$0x2] =	stream.linear.gather [hbm4b:s2+s3], $0x80, $0x38;
	[tilespmem:$0x1AA00] =	vst v63  }
0x6d: {  	_ =	swait.ge [sflag:s22], $0x80  }
0x6e: {  	[sflag:s22] =	ssyncset.done $0x0  }
0x6f: {  	s8 =	sadd.s32 s0, s19;
	[sflag:s22] =	ssyncadd.s32 $0xFFFFFF80  }
0x70: {  	[tilespmem:s23], [sflag:$0x2] =	stream.linear.gather [hbm4b:s8+s3], $0x80, $0x38;
	[tilespmem:$0x1AA00] =	vst v63  }
0x71: {  	_ =	swait.ge [sflag:s22], $0x80  }
0x72: {  	[sflag:s22] =	ssyncset.done $0x0  }
0x73: {  	[sflag:s22] =	ssyncadd.s32 $0xFFFFFF80  }
0x74: {  	[tilespmem:s24], [sflag:$0x1] =	stream.indirect.gather [hbm4b:s4+s23], $0x80, s3, s23, $0xb8;
	[tilespmem:$0x1AA00] =	vst v63  }
0x75: {  	_ =	swait.ge [sflag:s25], $0x4000  }
0x76: {  	[sflag:s25] =	ssyncset.done $0x0  }
0x77: {  	[sflag:s25] =	ssyncadd.s32 $0xFFFFC000  }
0x78: {  	[spmem:s1] =	stream.indirect.scatter.add.f32 [tilespmem:s24], [sflag:$0x2], $0x80, s23, s23, $0xb8;
	[tilespmem:$0x1AA00] =	vst v63  }
0x79: {  	_ =	swait.ge [sflag:s22], $0x4000  }
0x7a: {  	[sflag:s22] =	ssyncset.done $0x0  }
0x7b: {  	s2 =	rddreg [dreg:$0x4];
	[sflag:s22] =	ssyncadd.s32 $0xFFFFC000  }
0x7c: {  	[tilespmem:s26], [sflag:$0x2] =	stream.linear.gather [hbm4b:s2+s3], $0x10, $0x38;
	[tilespmem:$0x1AA00] =	vst v63  }
0x7d: {  	_ =	swait.ge [sflag:s22], $0x10  }
0x7e: {  	[sflag:s22] =	ssyncset.done $0x0  }
0x7f: {  	s6 =	rddreg [dreg:$0x5];
	[sflag:s22] =	ssyncadd.s32 $0xFFFFFFF0  }
0x80: {  	[tilespmem:s28], [sflag:$0x2] =	stream.linear.gather [hbm4b:s6+s3], $0x10, $0x38;
	[tilespmem:$0x1AA00] =	vst v63  }
0x81: {  	_ =	swait.ge [sflag:s22], $0x10  }
0x82: {  	[sflag:s22] =	ssyncset.done $0x0  }
0x83: {  	[sflag:s22] =	ssyncadd.s32 $0xFFFFFFF0  }
0x84: {  	[tilespmem:s30], [sflag:$0x1] =	stream.indirect.gather [hbm4b:s4+s29], $0x80, s26, s29, $0xb8;
	[tilespmem:$0x1AA00] =	vst v63  }
0x85: {  	_ =	swait.ge [sflag:s25], $0x800  }
0x86: {  	[sflag:s25] =	ssyncset.done $0x0  }
0x87: {  	[sflag:s25] =	ssyncadd.s32 $0xFFFFF800  }
0x88: {  	[spmem:s1] =	stream.indirect.scatter.add.f32 [tilespmem:s30], [sflag:$0x2], $0x80, s28, s29, $0xb8;
	[tilespmem:$0x1AA00] =	vst v63  }
0x89: {  	_ =	swait.ge [sflag:s22], $0x800  }
0x8a: {  	s7 =	stileid.u32;
	[sflag:s22] =	ssyncset.done $0x0  }
0x8b: {  	s31 =	sadd.s32 $0x1, s31;
	s0 =	sshll.u32 s7, $0x6;
	[sflag:s22] =	ssyncadd.s32 $0xFFFFF800  }
0x8c: {  	p0 =	sne.s32 s31, s9;
	s0 =	sor.u32 $0x1C02, s0;
	[bflag:$0x0] =	sbarrier.arrive $0xFFFF  }
.Ltmp2:
0x8d: {  	s8 =	sshrl.u32 s5, $0x3;
	s6 =	rddreg [dreg:$0x6];
	(pc) =	sbr.rel @p0 .LBB2_1-.Ltmp2, $4  }
0x8e: {  	[hbm:s6], [sflag:s0] =	dma.local [spmem:s8], $0x2800  }
0x8f: {  	_ =	swait.ge [sflag:s22], $0x2800  }
0x90: {  	[sflag:s22] =	ssyncset.done $0x0  }
0x91: {  	[sflag:s22] =	ssyncadd.s32 $0xFFFFD800  }
0x92: {  	_ =	sfence.sel $0x180000  }
0x93: {  	[bflag:$0x0] =	sbarrier.arrive $0xFFFF  }
0x94: {  	_ =	strace $0x9000004A  }
0x95: {  	s0 =	stileid.u32;
	[bflag:$0x2] =	sbarrier.arrive $0xFFFF  }
0x96: {  	p0 =	sne.s32 s0, $0x0;
	s0 =	rddreg [dreg:$0x3]  }
0x97: {  	s0 =	sadd.s32 @!p0 $0x100000, s0  }
0x98: {  	[sflag:s0] =	ssyncadd.tile.s32 @!p0 $0x1;
	_ =	shalt  }
.Lfunc_end2:
_tile_overlayer_lowered:
.L_overlay_start_2:
0x99: {  	(tag) =	ssettag $0x2  }
0x9a: {  	s0 =	rddreg [dreg:$0x0];
	s2 =	stileid.u32  }
0x9b: {  	s1 =	rddreg [dreg:$0x1];
	p0 =	sne.s32 s2, $0x0  }
0x9c: {  	s3 =	rddreg [dreg:$0x2];
	[bflag:$0x3] =	sbarrier.arrive $0xFFFF;
	s2 =	simm.s32 @!p0 $0x1C02  }
0x9d: {  	[timem:s3], [sflag:s2] =	dma.local @!p0 [hbm:s0], s1  }
0x9e: {  	s0 =	simm.s32 @!p0 $0x2  }
0x9f: {  	_ =	swait.ge @!p0 [sflag:s0], s1  }
0xa0: {  	s1 =	ssub.s32 @!p0 $0x0, s1;
	[sflag:s0] =	ssyncset.done @!p0 $0x0  }
0xa1: {  	[sflag:s0] =	ssyncadd.s32 @!p0 s1  }
0xa2: {  	[bflag:$0x3] =	sbarrier.arrive $0xFFFF  }
0xa3: {  	_ =	shalt  }

</sc_bundles>
